<compile_context>
chip_gen: v7x
topology: tpu7x:2x2x1
jax: 0.10.2.dev20260603
libtpu: 0.0.44.dev20260713+nightly
codegen_flags: <defaults>
</compile_context>

<pallas_src>
import functools

import jax
import jax.numpy as jnp
from jax import lax
from jax.experimental import pallas as pl
from jax.experimental.pallas import tpu as pltpu
from jax.experimental.pallas import tpu_sc as plsc

NC = 2
NS = 16
NW = NC * NS
CHUNK = 128


def _leaky(v):
    return jnp.where(v >= 0, v, 0.01 * v)


def _lin_in_body(x_ref, w_ref, b_ref, h_ref):
    h = jnp.dot(x_ref[...], w_ref[...], preferred_element_type=jnp.float32)
    h_ref[...] = _leaky(h + b_ref[...])


def _lin_in(x, W_in, b_in):
    n, c = x.shape[0], W_in.shape[1]
    return pl.pallas_call(
        _lin_in_body,
        out_shape=jax.ShapeDtypeStruct((n, c), jnp.float32),
    )(x, W_in, b_in.reshape(1, c))


def _make_gather(n_nodes, c, ch_per_w, e_pad):
    mesh = plsc.VectorSubcoreMesh(core_axis_name="c", subcore_axis_name="s")

    @functools.partial(
        pl.kernel,
        out_type=jax.ShapeDtypeStruct((e_pad, c), jnp.float32),
        mesh=mesh,
        scratch_types=[
            pltpu.VMEM((ch_per_w, CHUNK), jnp.int32),
            pltpu.VMEM((8 * CHUNK, c), jnp.float32),
            pltpu.VMEM((8 * CHUNK, c), jnp.float32),
            pltpu.SemaphoreType.DMA,
            pltpu.SemaphoreType.DMA,
            pltpu.SemaphoreType.DMA,
            pltpu.SemaphoreType.DMA,
        ],
        compiler_params=pltpu.CompilerParams(use_tc_tiling_on_sc=False),
    )
    def gather_k(h_hbm, src_hbm, xj_hbm, idx_v, buf_a, buf_b, ga, gb, sa, sb):
        w = lax.axis_index("c") * NS + lax.axis_index("s")
        pltpu.sync_copy(src_hbm.at[pl.ds(w * ch_per_w, ch_per_w)], idx_v)
        n_it = ch_per_w // 16

        def gather_batch(i, b0, buf, gsem):
            for k in range(8):
                pltpu.async_copy(
                    h_hbm.at[idx_v.at[i * 16 + b0 + k]],
                    buf.at[pl.ds(k * CHUNK, CHUNK)],
                    gsem,
                )

        def drain_batch(i, b0, buf, gsem):
            for k in range(8):
                pltpu.make_async_copy(
                    h_hbm.at[idx_v.at[i * 16 + b0 + k]],
                    buf.at[pl.ds(k * CHUNK, CHUNK)],
                    gsem,
                ).wait()

        def store_batch(i, b0, buf, ssem):
            base = (w * ch_per_w + i * 16 + b0) * CHUNK
            return pltpu.async_copy(buf, xj_hbm.at[pl.ds(base, 8 * CHUNK)], ssem)

        def wait_store(buf, ssem):
            pltpu.make_async_copy(buf, xj_hbm.at[pl.ds(0, 8 * CHUNK)], ssem).wait()

        def body(i, carry):
            pl.when(i > 0)(lambda: wait_store(buf_a, sa))
            gather_batch(i, 0, buf_a, ga)
            pl.when(i > 0)(lambda: wait_store(buf_b, sb))
            gather_batch(i, 8, buf_b, gb)
            drain_batch(i, 0, buf_a, ga)
            store_batch(i, 0, buf_a, sa)
            drain_batch(i, 8, buf_b, gb)
            store_batch(i, 8, buf_b, sb)
            return carry

        lax.fori_loop(0, n_it, body, 0)
        wait_store(buf_a, sa)
        wait_store(buf_b, sb)

    return gather_k


def _edge_msg_body(xj_ref, ea_ref, we_ref, be_ref, r_ref, s_ref, out_ref):
    t = jnp.dot(ea_ref[...], we_ref[...], preferred_element_type=jnp.float32)
    t = _leaky(t + be_ref[...])
    xb = jnp.dot(xj_ref[...], r_ref[...], preferred_element_type=jnp.float32)
    out_ref[...] = jnp.dot(xb * t, s_ref[...], preferred_element_type=jnp.float32)


def _edge_msg(xj, ea, W_e, b_e, e_pad, block_e):
    c = xj.shape[1]
    cc = W_e.shape[1]
    d = W_e.shape[0]
    grid = e_pad // block_e
    rows = block_e // 8
    last_ea = ea.shape[0] // block_e - 1
    R = (jnp.arange(cc)[None, :] // c == jnp.arange(c)[:, None]).astype(jnp.float32)
    S = (jnp.arange(cc)[:, None] % c == jnp.arange(c)[None, :]).astype(jnp.float32)
    eye8 = jnp.eye(8, dtype=jnp.float32)
    Wb = jnp.kron(eye8, W_e)
    Rb = jnp.kron(eye8, R)
    Sb = jnp.kron(eye8, S)
    bb = jnp.tile(b_e, 8).reshape(1, 8 * cc)
    return pl.pallas_call(
        _edge_msg_body,
        grid=(grid,),
        in_specs=[
            pl.BlockSpec((rows, 8 * c), lambda i: (i, 0)),
            pl.BlockSpec((rows, 8 * d), lambda i: (jnp.minimum(i, last_ea), 0)),
            pl.BlockSpec((8 * d, 8 * cc), lambda i: (0, 0)),
            pl.BlockSpec((1, 8 * cc), lambda i: (0, 0)),
            pl.BlockSpec((8 * c, 8 * cc), lambda i: (0, 0)),
            pl.BlockSpec((8 * cc, 8 * c), lambda i: (0, 0)),
        ],
        out_specs=pl.BlockSpec((rows, 8 * c), lambda i: (i, 0)),
        out_shape=jax.ShapeDtypeStruct((e_pad // 8, 8 * c), jnp.float32),
    )(xj.reshape(-1, 8 * c), ea.reshape(-1, 8 * d), Wb, bb, Rb, Sb)


def _make_scatter(n_pad, c, ch_per_w):
    mesh = plsc.VectorSubcoreMesh(core_axis_name="c", subcore_axis_name="s")
    rows_per_sub = n_pad // NS

    @functools.partial(
        pl.kernel,
        out_type=jax.ShapeDtypeStruct((NC, n_pad, c), jnp.float32),
        mesh=mesh,
        scratch_types=[
            pltpu.VMEM((ch_per_w, CHUNK), jnp.int32),
            pltpu.VMEM((8 * CHUNK, c), jnp.float32),
            pltpu.VMEM((8 * CHUNK, c), jnp.float32),
            pltpu.VMEM_SHARED((n_pad, c), jnp.float32),
            pltpu.SemaphoreType.DMA,
            pltpu.SemaphoreType.DMA,
        ],
        compiler_params=pltpu.CompilerParams(use_tc_tiling_on_sc=False),
    )
    def scatter_k(msg_hbm, dst_hbm, zero_hbm, agg_hbm, idx_v, buf_a, buf_b, agg_sh, la, lb):
        ci = lax.axis_index("c")
        s = lax.axis_index("s")
        w = ci * NS + s
        pltpu.sync_copy(
            zero_hbm.at[pl.ds(s * rows_per_sub, rows_per_sub)],
            agg_sh.at[pl.ds(s * rows_per_sub, rows_per_sub)],
        )
        pltpu.sync_copy(dst_hbm.at[pl.ds(w * ch_per_w, ch_per_w)], idx_v)
        plsc.subcore_barrier()
        n_it = ch_per_w // 16

        def load_batch(i, b0, buf, sem):
            base = (w * ch_per_w + i * 16 + b0) * CHUNK
            pltpu.async_copy(msg_hbm.at[pl.ds(base, 8 * CHUNK)], buf, sem)

        def wait_load(buf, sem):
            pltpu.make_async_copy(msg_hbm.at[pl.ds(0, 8 * CHUNK)], buf, sem).wait()

        def scatter_batch(i, b0, buf):
            for k in range(8):
                pltpu.sync_copy(
                    buf.at[pl.ds(k * CHUNK, CHUNK)],
                    agg_sh.at[idx_v.at[i * 16 + b0 + k]],
                    add=True,
                )

        load_batch(0, 0, buf_a, la)

        def body(i, carry):
            load_batch(i, 8, buf_b, lb)
            wait_load(buf_a, la)
            scatter_batch(i, 0, buf_a)
            nxt = lax.rem(i + 1, n_it)
            load_batch(nxt, 0, buf_a, la)
            wait_load(buf_b, lb)
            scatter_batch(i, 8, buf_b)
            return carry

        lax.fori_loop(0, n_it, body, 0)
        wait_load(buf_a, la)
        plsc.subcore_barrier()
        pltpu.sync_copy(
            agg_sh.at[pl.ds(s * rows_per_sub, rows_per_sub)],
            agg_hbm.at[ci].at[pl.ds(s * rows_per_sub, rows_per_sub)],
        )

    return scatter_k


def _head_body(a0_ref, a1_ref, h_ref, wr_ref, bc_ref, wo_ref, bo_ref, out_ref):
    z = a0_ref[...] + a1_ref[...]
    z = z + jnp.dot(h_ref[...], wr_ref[...], preferred_element_type=jnp.float32)
    z = z + bc_ref[...]
    o = jnp.dot(z, wo_ref[...], preferred_element_type=jnp.float32) + bo_ref[...]
    sp = jnp.maximum(o, 0.0) + jnp.log(1.0 + jnp.exp(-jnp.abs(o)))
    out_ref[...] = jnp.concatenate([o - sp, -sp], axis=1)


def _head(a0, a1, h, W_root, b_conv, W_out, b_out):
    n, c = h.shape
    return pl.pallas_call(
        _head_body,
        out_shape=jax.ShapeDtypeStruct((n, 2), jnp.float32),
    )(a0, a1, h, W_root, b_conv.reshape(1, c), W_out, b_out.reshape(1, 1))


def kernel(x, edge_index, edge_attr, W_in, b_in, W_e, b_e, W_root, b_conv, W_out, b_out):
    n = x.shape[0]
    e = edge_attr.shape[0]
    c = W_root.shape[0]

    n_chunks = -(-e // CHUNK)
    ch_per_w = (-(-n_chunks // NW) + 15) // 16 * 16
    e_pad = ch_per_w * NW * CHUNK
    n_pad = -(-(n + 1) // 128) * 128

    pad_src = jnp.arange(e_pad - e, dtype=jnp.int32) % n
    pad_dst = n + jnp.arange(e_pad - e, dtype=jnp.int32) % (n_pad - n)
    src = jnp.concatenate([edge_index[0], pad_src]).reshape(-1, CHUNK)
    dst = jnp.concatenate([edge_index[1], pad_dst]).reshape(-1, CHUNK)

    h = _lin_in(x, W_in, b_in)
    xj = _make_gather(n, c, ch_per_w, e_pad)(h, src)

    block_e = 2560
    assert e_pad % block_e == 0 and e % block_e == 0
    msg = _edge_msg(xj, edge_attr, W_e, b_e, e_pad, block_e).reshape(e_pad, c)

    zero = jnp.zeros((n_pad, c), jnp.float32)
    agg = _make_scatter(n_pad, c, ch_per_w)(msg, dst, zero)

    return _head(agg[0, :n], agg[1, :n], h, W_root, b_conv, W_out, b_out)

# --- scband reference (transcript-rebuilt; emitter-appended) ---
"""Pipeline reference for scband-nnconv-net-34875134444163 (READ-ONLY COPY).

The authoritative reference and input builder live on the scoring server;
editing this copy changes nothing except your own understanding.
"""

import jax, jax.numpy as jnp
import numpy as np

N = 10000
E = 320000
F_IN = 128
D_EDGE = 16
C = 16


def setup_inputs(seed: int = 0) -> dict:
    key = jax.random.key(seed)
    ks = jax.random.split(key, 12)
    x = jax.random.normal(ks[0], (N, F_IN), dtype=jnp.float32)
    edge_index = jax.random.randint(ks[1], (2, E), 0, N, dtype=jnp.int32)
    edge_attr = jax.random.uniform(ks[2], (E, D_EDGE), dtype=jnp.float32)
    # lin_in: in_features -> channel_width
    W_in = jax.random.normal(ks[3], (F_IN, C), dtype=jnp.float32) * (1.0 / np.sqrt(F_IN))
    b_in = jax.random.normal(ks[4], (C,), dtype=jnp.float32) * 0.01
    # edge_nn: Linear(edge_features, channel_width**2) + LeakyReLU
    W_e = jax.random.normal(ks[5], (D_EDGE, C * C), dtype=jnp.float32) * (1.0 / np.sqrt(D_EDGE))
    b_e = jax.random.normal(ks[6], (C * C,), dtype=jnp.float32) * 0.01
    # NNConv root weight and bias
    W_root = jax.random.normal(ks[7], (C, C), dtype=jnp.float32) * (1.0 / np.sqrt(C))
    b_conv = jax.random.normal(ks[8], (C,), dtype=jnp.float32) * 0.01
    # lin_out: channel_width -> out_features(=1)
    W_out = jax.random.normal(ks[9], (C, 1), dtype=jnp.float32) * (1.0 / np.sqrt(C))
    b_out = jax.random.normal(ks[10], (1,), dtype=jnp.float32) * 0.01
    return {
        "x": x,
        "edge_index": edge_index,
        "edge_attr": edge_attr,
        "W_in": W_in,
        "b_in": b_in,
        "W_e": W_e,
        "b_e": b_e,
        "W_root": W_root,
        "b_conv": b_conv,
        "W_out": W_out,
        "b_out": b_out,
    }


def reference(x, edge_index, edge_attr, W_in, b_in, W_e, b_e, W_root, b_conv, W_out, b_out):
    n_nodes = x.shape[0]
    n_edges = edge_attr.shape[0]
    c = W_root.shape[0]
    # lin_in
    h = x @ W_in + b_in
    # gnn_depth=1 loop: leaky_relu -> dropout(p=0.0, identity) -> NNConv
    h = jax.nn.leaky_relu(h, negative_slope=0.01)
    # NNConv: per-edge weight matrices from edge_nn
    w_edge = jax.nn.leaky_relu(edge_attr @ W_e + b_e, negative_slope=0.01)
    w_edge = w_edge.reshape(n_edges, c, c)
    src = edge_index[0]
    dst = edge_index[1]
    x_j = jnp.take(h, src, axis=0)  # gather source node features [E, C]
    msg = jnp.einsum('ei,eio->eo', x_j, w_edge)  # per-edge matvec [E, C]
    agg = jax.ops.segment_sum(msg, dst, num_segments=n_nodes)  # scatter-add at dst
    h = agg + h @ W_root + b_conv  # root weight + bias
    # lin_out, squeeze(-1)
    out = (h @ W_out + b_out).squeeze(-1)  # [N]
    stacked = jnp.stack([out, jnp.zeros_like(out)], axis=1)  # [N, 2]
    return jax.nn.log_softmax(stacked, axis=1)

if __name__ == "__main__":
    import jax
    _d = setup_inputs()
    print(jax.jit(kernel)(*tuple(_d.values())))

</pallas_src>

<mosaic_0001>
#map = affine_map<(d0, d1) -> (0, 0)>
module attributes {stable_mosaic.version = 14 : i64} {
  func.func @gather_k(%arg0: i32, %arg1: i32, %arg2: memref<10000x16xf32, #tpu.memory_space<hbm>>, %arg3: memref<2560x128xi32, #tpu.memory_space<hbm>>, %arg4: memref<327680x16xf32, #tpu.memory_space<hbm>>, %arg5: memref<80x128xi32, #tpu.memory_space<vmem>>, %arg6: memref<1024x16xf32, #tpu.memory_space<vmem>>, %arg7: memref<1024x16xf32, #tpu.memory_space<vmem>>, %arg8: memref<!tpu.dma_semaphore, #tpu.memory_space<semaphore_mem>>, %arg9: memref<!tpu.dma_semaphore, #tpu.memory_space<semaphore_mem>>, %arg10: memref<!tpu.dma_semaphore, #tpu.memory_space<semaphore_mem>>, %arg11: memref<!tpu.dma_semaphore, #tpu.memory_space<semaphore_mem>>) attributes {dimension_semantics = [#tpu.dimension_semantics<core_parallel>, #tpu.dimension_semantics<subcore_parallel>], iteration_bounds = array<i64: 2, 16>, scalar_prefetch = 0 : i64, scratch_operands = 7 : i64, tpu.core_type = #tpu.core_type<sc_vector_subcore>, window_params = [{transform_indices = #map}, {transform_indices = #map}, {transform_indices = #map}]} {
    %mul3A = arith.constant 16 : i32
    %mul3A_0 = arith.muli %arg0, %mul3A : i32
    %add3A = arith.addi %mul3A_0, %arg1 : i32
    %mul3A_1 = arith.constant 80 : i32
    %mul3A_2 = arith.muli %add3A, %mul3A_1 : i32
    "tpu.region"() ({
      %run_scoped3A = tpu.sem_alloc : memref<!tpu.dma_semaphore, #tpu.memory_space<semaphore_mem>>
      %dma_start3A = arith.constant 0 : i32
      %dma_start3A_19 = tpu.memref_slice %arg3[%mul3A_2, %dma_start3A] : memref<2560x128xi32, #tpu.memory_space<hbm>> -> memref<80x128xi32, #tpu.memory_space<hbm>>
      %dma_start3A_20 = arith.constant 0 : i32
      %dma_start3A_21 = tpu.memref_slice %arg3[%mul3A_2, %dma_start3A_20] : memref<2560x128xi32, #tpu.memory_space<hbm>> -> memref<80x128xi32, #tpu.memory_space<hbm>>
      tpu.enqueue_dma source(%dma_start3A_21 : memref<80x128xi32, #tpu.memory_space<hbm>>) target(%arg5 : memref<80x128xi32, #tpu.memory_space<vmem>>) target_semaphore(%run_scoped3A : memref<!tpu.dma_semaphore, #tpu.memory_space<semaphore_mem>>)
      %dma_wait3A_22 = arith.constant 0 : i32
      %dma_wait3A_23 = tpu.memref_slice %arg3[%mul3A_2, %dma_wait3A_22] : memref<2560x128xi32, #tpu.memory_space<hbm>> -> memref<80x128xi32, #tpu.memory_space<hbm>>
      %dma_wait3A_24 = arith.constant 0 : i32
      %dma_wait3A_25 = tpu.memref_slice %arg3[%mul3A_2, %dma_wait3A_24] : memref<2560x128xi32, #tpu.memory_space<hbm>> -> memref<80x128xi32, #tpu.memory_space<hbm>>
      tpu.wait_dma2 semaphore(%run_scoped3A : memref<!tpu.dma_semaphore, #tpu.memory_space<semaphore_mem>>) src(%dma_wait3A_25 : memref<80x128xi32, #tpu.memory_space<hbm>>) dst(%arg5 : memref<80x128xi32, #tpu.memory_space<vmem>>)
      tpu.yield
    }) : () -> ()
    %scan3A = arith.constant 0 : i32
    %scan3A_3 = arith.constant 0 : i32
    %scan3A_4 = arith.constant 5 : i32
    %scan3A_5 = arith.addi %scan3A_3, %scan3A_4 : i32
    %scan3A_6 = arith.constant 1 : i32
    scf.for %scan3A_19 = %scan3A_3 to %scan3A_5 step %scan3A_6  : i32 {
      %gt3A = arith.constant 0 : i32
      %gt3A_20 = arith.cmpi sgt, %scan3A_19, %gt3A : i32
      %convert_element_type3A = arith.extui %gt3A_20 : i1 to i32
      %cond3A = arith.constant 0 : i32
      %cond3A_21 = arith.cmpi ne, %convert_element_type3A, %cond3A : i32
      scf.if %cond3A_21 {
        %dma_wait3A_532 = arith.constant 0 : i32
        %dma_wait3A_533 = arith.constant 0 : i32
        %dma_wait3A_534 = tpu.memref_slice %arg4[%dma_wait3A_532, %dma_wait3A_533] : memref<327680x16xf32, #tpu.memory_space<hbm>> -> memref<1024x16xf32, #tpu.memory_space<hbm>>
        %dma_wait3A_535 = arith.constant 0 : i32
        %dma_wait3A_536 = arith.constant 0 : i32
        %dma_wait3A_537 = tpu.memref_slice %arg4[%dma_wait3A_535, %dma_wait3A_536] : memref<327680x16xf32, #tpu.memory_space<hbm>> -> memref<1024x16xf32, #tpu.memory_space<hbm>>
        tpu.wait_dma2 semaphore(%arg10 : memref<!tpu.dma_semaphore, #tpu.memory_space<semaphore_mem>>) src(%arg6 : memref<1024x16xf32, #tpu.memory_space<vmem>>) dst(%dma_wait3A_537 : memref<1024x16xf32, #tpu.memory_space<hbm>>)
      } else {
      }
      %mul3A_22 = arith.constant 16 : i32
      %mul3A_23 = arith.muli %scan3A_19, %mul3A_22 : i32
      %add3A_24 = arith.constant 0 : i32
      %add3A_25 = arith.addi %mul3A_23, %add3A_24 : i32
      %add3A_26 = arith.constant 0 : i32
      %add3A_27 = arith.addi %add3A_25, %add3A_26 : i32
      %dma_start3A = arith.constant 0 : i32
      %dma_start3A_28 = arith.constant 0 : i32
      %dma_start3A_29 = tpu.memref_slice %arg6[%dma_start3A, %dma_start3A_28] : memref<1024x16xf32, #tpu.memory_space<vmem>> -> memref<128x16xf32, #tpu.memory_space<vmem>>
      %dma_start3A_30 = arith.constant 0 : i32
      %dma_start3A_31 = tpu.memref_slice %arg5[%add3A_27, %dma_start3A_30] : memref<80x128xi32, #tpu.memory_space<vmem>> -> memref<1x128xi32, #tpu.memory_space<vmem>>
      %dma_start3A_32 = tpu.memref_squeeze %dma_start3A_31 : memref<1x128xi32, #tpu.memory_space<vmem>> -> memref<128xi32, #tpu.memory_space<vmem>>
      %dma_start3A_33 = arith.constant 0 : i32
      %dma_start3A_34 = arith.constant 0 : i32
      %dma_start3A_35 = tpu.memref_slice %arg2[%dma_start3A_33, %dma_start3A_34] : memref<10000x16xf32, #tpu.memory_space<hbm>> -> memref<10000x16xf32, #tpu.memory_space<hbm>>
      tpu.enqueue_indirect_dma source(%dma_start3A_35 : memref<10000x16xf32, #tpu.memory_space<hbm>>) target(%dma_start3A_29 : memref<128x16xf32, #tpu.memory_space<vmem>>) offsets(%dma_start3A_32 : memref<128xi32, #tpu.memory_space<vmem>>) semaphore(%arg8 : memref<!tpu.dma_semaphore, #tpu.memory_space<semaphore_mem>>)
      %mul3A_36 = arith.constant 16 : i32
      %mul3A_37 = arith.muli %scan3A_19, %mul3A_36 : i32
      %add3A_38 = arith.constant 0 : i32
      %add3A_39 = arith.addi %mul3A_37, %add3A_38 : i32
      %add3A_40 = arith.constant 1 : i32
      %add3A_41 = arith.addi %add3A_39, %add3A_40 : i32
      %dma_start3A_42 = arith.constant 128 : i32
      %dma_start3A_43 = arith.constant 0 : i32
      %dma_start3A_44 = tpu.memref_slice %arg6[%dma_start3A_42, %dma_start3A_43] : memref<1024x16xf32, #tpu.memory_space<vmem>> -> memref<128x16xf32, #tpu.memory_space<vmem>>
      %dma_start3A_45 = arith.constant 0 : i32
      %dma_start3A_46 = tpu.memref_slice %arg5[%add3A_41, %dma_start3A_45] : memref<80x128xi32, #tpu.memory_space<vmem>> -> memref<1x128xi32, #tpu.memory_space<vmem>>
      %dma_start3A_47 = tpu.memref_squeeze %dma_start3A_46 : memref<1x128xi32, #tpu.memory_space<vmem>> -> memref<128xi32, #tpu.memory_space<vmem>>
      %dma_start3A_48 = arith.constant 0 : i32
      %dma_start3A_49 = arith.constant 0 : i32
      %dma_start3A_50 = tpu.memref_slice %arg2[%dma_start3A_48, %dma_start3A_49] : memref<10000x16xf32, #tpu.memory_space<hbm>> -> memref<10000x16xf32, #tpu.memory_space<hbm>>
      tpu.enqueue_indirect_dma source(%dma_start3A_50 : memref<10000x16xf32, #tpu.memory_space<hbm>>) target(%dma_start3A_44 : memref<128x16xf32, #tpu.memory_space<vmem>>) offsets(%dma_start3A_47 : memref<128xi32, #tpu.memory_space<vmem>>) semaphore(%arg8 : memref<!tpu.dma_semaphore, #tpu.memory_space<semaphore_mem>>)
      %mul3A_51 = arith.constant 16 : i32
      %mul3A_52 = arith.muli %scan3A_19, %mul3A_51 : i32
      %add3A_53 = arith.constant 0 : i32
      %add3A_54 = arith.addi %mul3A_52, %add3A_53 : i32
      %add3A_55 = arith.constant 2 : i32
      %add3A_56 = arith.addi %add3A_54, %add3A_55 : i32
      %dma_start3A_57 = arith.constant 256 : i32
      %dma_start3A_58 = arith.constant 0 : i32
      %dma_start3A_59 = tpu.memref_slice %arg6[%dma_start3A_57, %dma_start3A_58] : memref<1024x16xf32, #tpu.memory_space<vmem>> -> memref<128x16xf32, #tpu.memory_space<vmem>>
      %dma_start3A_60 = arith.constant 0 : i32
      %dma_start3A_61 = tpu.memref_slice %arg5[%add3A_56, %dma_start3A_60] : memref<80x128xi32, #tpu.memory_space<vmem>> -> memref<1x128xi32, #tpu.memory_space<vmem>>
      %dma_start3A_62 = tpu.memref_squeeze %dma_start3A_61 : memref<1x128xi32, #tpu.memory_space<vmem>> -> memref<128xi32, #tpu.memory_space<vmem>>
      %dma_start3A_63 = arith.constant 0 : i32
      %dma_start3A_64 = arith.constant 0 : i32
      %dma_start3A_65 = tpu.memref_slice %arg2[%dma_start3A_63, %dma_start3A_64] : memref<10000x16xf32, #tpu.memory_space<hbm>> -> memref<10000x16xf32, #tpu.memory_space<hbm>>
      tpu.enqueue_indirect_dma source(%dma_start3A_65 : memref<10000x16xf32, #tpu.memory_space<hbm>>) target(%dma_start3A_59 : memref<128x16xf32, #tpu.memory_space<vmem>>) offsets(%dma_start3A_62 : memref<128xi32, #tpu.memory_space<vmem>>) semaphore(%arg8 : memref<!tpu.dma_semaphore, #tpu.memory_space<semaphore_mem>>)
      %mul3A_66 = arith.constant 16 : i32
      %mul3A_67 = arith.muli %scan3A_19, %mul3A_66 : i32
      %add3A_68 = arith.constant 0 : i32
      %add3A_69 = arith.addi %mul3A_67, %add3A_68 : i32
      %add3A_70 = arith.constant 3 : i32
      %add3A_71 = arith.addi %add3A_69, %add3A_70 : i32
      %dma_start3A_72 = arith.constant 384 : i32
      %dma_start3A_73 = arith.constant 0 : i32
      %dma_start3A_74 = tpu.memref_slice %arg6[%dma_start3A_72, %dma_start3A_73] : memref<1024x16xf32, #tpu.memory_space<vmem>> -> memref<128x16xf32, #tpu.memory_space<vmem>>
      %dma_start3A_75 = arith.constant 0 : i32
      %dma_start3A_76 = tpu.memref_slice %arg5[%add3A_71, %dma_start3A_75] : memref<80x128xi32, #tpu.memory_space<vmem>> -> memref<1x128xi32, #tpu.memory_space<vmem>>
      %dma_start3A_77 = tpu.memref_squeeze %dma_start3A_76 : memref<1x128xi32, #tpu.memory_space<vmem>> -> memref<128xi32, #tpu.memory_space<vmem>>
      %dma_start3A_78 = arith.constant 0 : i32
      %dma_start3A_79 = arith.constant 0 : i32
      %dma_start3A_80 = tpu.memref_slice %arg2[%dma_start3A_78, %dma_start3A_79] : memref<10000x16xf32, #tpu.memory_space<hbm>> -> memref<10000x16xf32, #tpu.memory_space<hbm>>
      tpu.enqueue_indirect_dma source(%dma_start3A_80 : memref<10000x16xf32, #tpu.memory_space<hbm>>) target(%dma_start3A_74 : memref<128x16xf32, #tpu.memory_space<vmem>>) offsets(%dma_start3A_77 : memref<128xi32, #tpu.memory_space<vmem>>) semaphore(%arg8 : memref<!tpu.dma_semaphore, #tpu.memory_space<semaphore_mem>>)
      %mul3A_81 = arith.constant 16 : i32
      %mul3A_82 = arith.muli %scan3A_19, %mul3A_81 : i32
      %add3A_83 = arith.constant 0 : i32
      %add3A_84 = arith.addi %mul3A_82, %add3A_83 : i32
      %add3A_85 = arith.constant 4 : i32
      %add3A_86 = arith.addi %add3A_84, %add3A_85 : i32
      %dma_start3A_87 = arith.constant 512 : i32
      %dma_start3A_88 = arith.constant 0 : i32
      %dma_start3A_89 = tpu.memref_slice %arg6[%dma_start3A_87, %dma_start3A_88] : memref<1024x16xf32, #tpu.memory_space<vmem>> -> memref<128x16xf32, #tpu.memory_space<vmem>>
      %dma_start3A_90 = arith.constant 0 : i32
      %dma_start3A_91 = tpu.memref_slice %arg5[%add3A_86, %dma_start3A_90] : memref<80x128xi32, #tpu.memory_space<vmem>> -> memref<1x128xi32, #tpu.memory_space<vmem>>
      %dma_start3A_92 = tpu.memref_squeeze %dma_start3A_91 : memref<1x128xi32, #tpu.memory_space<vmem>> -> memref<128xi32, #tpu.memory_space<vmem>>
      %dma_start3A_93 = arith.constant 0 : i32
      %dma_start3A_94 = arith.constant 0 : i32
      %dma_start3A_95 = tpu.memref_slice %arg2[%dma_start3A_93, %dma_start3A_94] : memref<10000x16xf32, #tpu.memory_space<hbm>> -> memref<10000x16xf32, #tpu.memory_space<hbm>>
      tpu.enqueue_indirect_dma source(%dma_start3A_95 : memref<10000x16xf32, #tpu.memory_space<hbm>>) target(%dma_start3A_89 : memref<128x16xf32, #tpu.memory_space<vmem>>) offsets(%dma_start3A_92 : memref<128xi32, #tpu.memory_space<vmem>>) semaphore(%arg8 : memref<!tpu.dma_semaphore, #tpu.memory_space<semaphore_mem>>)
      %mul3A_96 = arith.constant 16 : i32
      %mul3A_97 = arith.muli %scan3A_19, %mul3A_96 : i32
      %add3A_98 = arith.constant 0 : i32
      %add3A_99 = arith.addi %mul3A_97, %add3A_98 : i32
      %add3A_100 = arith.constant 5 : i32
      %add3A_101 = arith.addi %add3A_99, %add3A_100 : i32
      %dma_start3A_102 = arith.constant 640 : i32
      %dma_start3A_103 = arith.constant 0 : i32
      %dma_start3A_104 = tpu.memref_slice %arg6[%dma_start3A_102, %dma_start3A_103] : memref<1024x16xf32, #tpu.memory_space<vmem>> -> memref<128x16xf32, #tpu.memory_space<vmem>>
      %dma_start3A_105 = arith.constant 0 : i32
      %dma_start3A_106 = tpu.memref_slice %arg5[%add3A_101, %dma_start3A_105] : memref<80x128xi32, #tpu.memory_space<vmem>> -> memref<1x128xi32, #tpu.memory_space<vmem>>
      %dma_start3A_107 = tpu.memref_squeeze %dma_start3A_106 : memref<1x128xi32, #tpu.memory_space<vmem>> -> memref<128xi32, #tpu.memory_space<vmem>>
      %dma_start3A_108 = arith.constant 0 : i32
      %dma_start3A_109 = arith.constant 0 : i32
      %dma_start3A_110 = tpu.memref_slice %arg2[%dma_start3A_108, %dma_start3A_109] : memref<10000x16xf32, #tpu.memory_space<hbm>> -> memref<10000x16xf32, #tpu.memory_space<hbm>>
      tpu.enqueue_indirect_dma source(%dma_start3A_110 : memref<10000x16xf32, #tpu.memory_space<hbm>>) target(%dma_start3A_104 : memref<128x16xf32, #tpu.memory_space<vmem>>) offsets(%dma_start3A_107 : memref<128xi32, #tpu.memory_space<vmem>>) semaphore(%arg8 : memref<!tpu.dma_semaphore, #tpu.memory_space<semaphore_mem>>)
      %mul3A_111 = arith.constant 16 : i32
      %mul3A_112 = arith.muli %scan3A_19, %mul3A_111 : i32
      %add3A_113 = arith.constant 0 : i32
      %add3A_114 = arith.addi %mul3A_112, %add3A_113 : i32
      %add3A_115 = arith.constant 6 : i32
      %add3A_116 = arith.addi %add3A_114, %add3A_115 : i32
      %dma_start3A_117 = arith.constant 768 : i32
      %dma_start3A_118 = arith.constant 0 : i32
      %dma_start3A_119 = tpu.memref_slice %arg6[%dma_start3A_117, %dma_start3A_118] : memref<1024x16xf32, #tpu.memory_space<vmem>> -> memref<128x16xf32, #tpu.memory_space<vmem>>
      %dma_start3A_120 = arith.constant 0 : i32
      %dma_start3A_121 = tpu.memref_slice %arg5[%add3A_116, %dma_start3A_120] : memref<80x128xi32, #tpu.memory_space<vmem>> -> memref<1x128xi32, #tpu.memory_space<vmem>>
      %dma_start3A_122 = tpu.memref_squeeze %dma_start3A_121 : memref<1x128xi32, #tpu.memory_space<vmem>> -> memref<128xi32, #tpu.memory_space<vmem>>
      %dma_start3A_123 = arith.constant 0 : i32
      %dma_start3A_124 = arith.constant 0 : i32
      %dma_start3A_125 = tpu.memref_slice %arg2[%dma_start3A_123, %dma_start3A_124] : memref<10000x16xf32, #tpu.memory_space<hbm>> -> memref<10000x16xf32, #tpu.memory_space<hbm>>
      tpu.enqueue_indirect_dma source(%dma_start3A_125 : memref<10000x16xf32, #tpu.memory_space<hbm>>) target(%dma_start3A_119 : memref<128x16xf32, #tpu.memory_space<vmem>>) offsets(%dma_start3A_122 : memref<128xi32, #tpu.memory_space<vmem>>) semaphore(%arg8 : memref<!tpu.dma_semaphore, #tpu.memory_space<semaphore_mem>>)
      %mul3A_126 = arith.constant 16 : i32
      %mul3A_127 = arith.muli %scan3A_19, %mul3A_126 : i32
      %add3A_128 = arith.constant 0 : i32
      %add3A_129 = arith.addi %mul3A_127, %add3A_128 : i32
      %add3A_130 = arith.constant 7 : i32
      %add3A_131 = arith.addi %add3A_129, %add3A_130 : i32
      %dma_start3A_132 = arith.constant 896 : i32
      %dma_start3A_133 = arith.constant 0 : i32
      %dma_start3A_134 = tpu.memref_slice %arg6[%dma_start3A_132, %dma_start3A_133] : memref<1024x16xf32, #tpu.memory_space<vmem>> -> memref<128x16xf32, #tpu.memory_space<vmem>>
      %dma_start3A_135 = arith.constant 0 : i32
      %dma_start3A_136 = tpu.memref_slice %arg5[%add3A_131, %dma_start3A_135] : memref<80x128xi32, #tpu.memory_space<vmem>> -> memref<1x128xi32, #tpu.memory_space<vmem>>
      %dma_start3A_137 = tpu.memref_squeeze %dma_start3A_136 : memref<1x128xi32, #tpu.memory_space<vmem>> -> memref<128xi32, #tpu.memory_space<vmem>>
      %dma_start3A_138 = arith.constant 0 : i32
      %dma_start3A_139 = arith.constant 0 : i32
      %dma_start3A_140 = tpu.memref_slice %arg2[%dma_start3A_138, %dma_start3A_139] : memref<10000x16xf32, #tpu.memory_space<hbm>> -> memref<10000x16xf32, #tpu.memory_space<hbm>>
      tpu.enqueue_indirect_dma source(%dma_start3A_140 : memref<10000x16xf32, #tpu.memory_space<hbm>>) target(%dma_start3A_134 : memref<128x16xf32, #tpu.memory_space<vmem>>) offsets(%dma_start3A_137 : memref<128xi32, #tpu.memory_space<vmem>>) semaphore(%arg8 : memref<!tpu.dma_semaphore, #tpu.memory_space<semaphore_mem>>)
      %gt3A_141 = arith.constant 0 : i32
      %gt3A_142 = arith.cmpi sgt, %scan3A_19, %gt3A_141 : i32
      %convert_element_type3A_143 = arith.extui %gt3A_142 : i1 to i32
      %cond3A_144 = arith.constant 0 : i32
      %cond3A_145 = arith.cmpi ne, %convert_element_type3A_143, %cond3A_144 : i32
      scf.if %cond3A_145 {
        %dma_wait3A_532 = arith.constant 0 : i32
        %dma_wait3A_533 = arith.constant 0 : i32
        %dma_wait3A_534 = tpu.memref_slice %arg4[%dma_wait3A_532, %dma_wait3A_533] : memref<327680x16xf32, #tpu.memory_space<hbm>> -> memref<1024x16xf32, #tpu.memory_space<hbm>>
        %dma_wait3A_535 = arith.constant 0 : i32
        %dma_wait3A_536 = arith.constant 0 : i32
        %dma_wait3A_537 = tpu.memref_slice %arg4[%dma_wait3A_535, %dma_wait3A_536] : memref<327680x16xf32, #tpu.memory_space<hbm>> -> memref<1024x16xf32, #tpu.memory_space<hbm>>
        tpu.wait_dma2 semaphore(%arg11 : memref<!tpu.dma_semaphore, #tpu.memory_space<semaphore_mem>>) src(%arg7 : memref<1024x16xf32, #tpu.memory_space<vmem>>) dst(%dma_wait3A_537 : memref<1024x16xf32, #tpu.memory_space<hbm>>)
      } else {
      }
      %mul3A_146 = arith.constant 16 : i32
      %mul3A_147 = arith.muli %scan3A_19, %mul3A_146 : i32
      %add3A_148 = arith.constant 8 : i32
      %add3A_149 = arith.addi %mul3A_147, %add3A_148 : i32
      %add3A_150 = arith.constant 0 : i32
      %add3A_151 = arith.addi %add3A_149, %add3A_150 : i32
      %dma_start3A_152 = arith.constant 0 : i32
      %dma_start3A_153 = arith.constant 0 : i32
      %dma_start3A_154 = tpu.memref_slice %arg7[%dma_start3A_152, %dma_start3A_153] : memref<1024x16xf32, #tpu.memory_space<vmem>> -> memref<128x16xf32, #tpu.memory_space<vmem>>
      %dma_start3A_155 = arith.constant 0 : i32
      %dma_start3A_156 = tpu.memref_slice %arg5[%add3A_151, %dma_start3A_155] : memref<80x128xi32, #tpu.memory_space<vmem>> -> memref<1x128xi32, #tpu.memory_space<vmem>>
      %dma_start3A_157 = tpu.memref_squeeze %dma_start3A_156 : memref<1x128xi32, #tpu.memory_space<vmem>> -> memref<128xi32, #tpu.memory_space<vmem>>
      %dma_start3A_158 = arith.constant 0 : i32
      %dma_start3A_159 = arith.constant 0 : i32
      %dma_start3A_160 = tpu.memref_slice %arg2[%dma_start3A_158, %dma_start3A_159] : memref<10000x16xf32, #tpu.memory_space<hbm>> -> memref<10000x16xf32, #tpu.memory_space<hbm>>
      tpu.enqueue_indirect_dma source(%dma_start3A_160 : memref<10000x16xf32, #tpu.memory_space<hbm>>) target(%dma_start3A_154 : memref<128x16xf32, #tpu.memory_space<vmem>>) offsets(%dma_start3A_157 : memref<128xi32, #tpu.memory_space<vmem>>) semaphore(%arg9 : memref<!tpu.dma_semaphore, #tpu.memory_space<semaphore_mem>>)
      %mul3A_161 = arith.constant 16 : i32
      %mul3A_162 = arith.muli %scan3A_19, %mul3A_161 : i32
      %add3A_163 = arith.constant 8 : i32
      %add3A_164 = arith.addi %mul3A_162, %add3A_163 : i32
      %add3A_165 = arith.constant 1 : i32
      %add3A_166 = arith.addi %add3A_164, %add3A_165 : i32
      %dma_start3A_167 = arith.constant 128 : i32
      %dma_start3A_168 = arith.constant 0 : i32
      %dma_start3A_169 = tpu.memref_slice %arg7[%dma_start3A_167, %dma_start3A_168] : memref<1024x16xf32, #tpu.memory_space<vmem>> -> memref<128x16xf32, #tpu.memory_space<vmem>>
      %dma_start3A_170 = arith.constant 0 : i32
      %dma_start3A_171 = tpu.memref_slice %arg5[%add3A_166, %dma_start3A_170] : memref<80x128xi32, #tpu.memory_space<vmem>> -> memref<1x128xi32, #tpu.memory_space<vmem>>
      %dma_start3A_172 = tpu.memref_squeeze %dma_start3A_171 : memref<1x128xi32, #tpu.memory_space<vmem>> -> memref<128xi32, #tpu.memory_space<vmem>>
      %dma_start3A_173 = arith.constant 0 : i32
      %dma_start3A_174 = arith.constant 0 : i32
      %dma_start3A_175 = tpu.memref_slice %arg2[%dma_start3A_173, %dma_start3A_174] : memref<10000x16xf32, #tpu.memory_space<hbm>> -> memref<10000x16xf32, #tpu.memory_space<hbm>>
      tpu.enqueue_indirect_dma source(%dma_start3A_175 : memref<10000x16xf32, #tpu.memory_space<hbm>>) target(%dma_start3A_169 : memref<128x16xf32, #tpu.memory_space<vmem>>) offsets(%dma_start3A_172 : memref<128xi32, #tpu.memory_space<vmem>>) semaphore(%arg9 : memref<!tpu.dma_semaphore, #tpu.memory_space<semaphore_mem>>)
      %mul3A_176 = arith.constant 16 : i32
      %mul3A_177 = arith.muli %scan3A_19, %mul3A_176 : i32
      %add3A_178 = arith.constant 8 : i32
      %add3A_179 = arith.addi %mul3A_177, %add3A_178 : i32
      %add3A_180 = arith.constant 2 : i32
      %add3A_181 = arith.addi %add3A_179, %add3A_180 : i32
      %dma_start3A_182 = arith.constant 256 : i32
      %dma_start3A_183 = arith.constant 0 : i32
      %dma_start3A_184 = tpu.memref_slice %arg7[%dma_start3A_182, %dma_start3A_183] : memref<1024x16xf32, #tpu.memory_space<vmem>> -> memref<128x16xf32, #tpu.memory_space<vmem>>
      %dma_start3A_185 = arith.constant 0 : i32
      %dma_start3A_186 = tpu.memref_slice %arg5[%add3A_181, %dma_start3A_185] : memref<80x128xi32, #tpu.memory_space<vmem>> -> memref<1x128xi32, #tpu.memory_space<vmem>>
      %dma_start3A_187 = tpu.memref_squeeze %dma_start3A_186 : memref<1x128xi32, #tpu.memory_space<vmem>> -> memref<128xi32, #tpu.memory_space<vmem>>
      %dma_start3A_188 = arith.constant 0 : i32
      %dma_start3A_189 = arith.constant 0 : i32
      %dma_start3A_190 = tpu.memref_slice %arg2[%dma_start3A_188, %dma_start3A_189] : memref<10000x16xf32, #tpu.memory_space<hbm>> -> memref<10000x16xf32, #tpu.memory_space<hbm>>
      tpu.enqueue_indirect_dma source(%dma_start3A_190 : memref<10000x16xf32, #tpu.memory_space<hbm>>) target(%dma_start3A_184 : memref<128x16xf32, #tpu.memory_space<vmem>>) offsets(%dma_start3A_187 : memref<128xi32, #tpu.memory_space<vmem>>) semaphore(%arg9 : memref<!tpu.dma_semaphore, #tpu.memory_space<semaphore_mem>>)
      %mul3A_191 = arith.constant 16 : i32
      %mul3A_192 = arith.muli %scan3A_19, %mul3A_191 : i32
      %add3A_193 = arith.constant 8 : i32
      %add3A_194 = arith.addi %mul3A_192, %add3A_193 : i32
      %add3A_195 = arith.constant 3 : i32
      %add3A_196 = arith.addi %add3A_194, %add3A_195 : i32
      %dma_start3A_197 = arith.constant 384 : i32
      %dma_start3A_198 = arith.constant 0 : i32
      %dma_start3A_199 = tpu.memref_slice %arg7[%dma_start3A_197, %dma_start3A_198] : memref<1024x16xf32, #tpu.memory_space<vmem>> -> memref<128x16xf32, #tpu.memory_space<vmem>>
      %dma_start3A_200 = arith.constant 0 : i32
      %dma_start3A_201 = tpu.memref_slice %arg5[%add3A_196, %dma_start3A_200] : memref<80x128xi32, #tpu.memory_space<vmem>> -> memref<1x128xi32, #tpu.memory_space<vmem>>
      %dma_start3A_202 = tpu.memref_squeeze %dma_start3A_201 : memref<1x128xi32, #tpu.memory_space<vmem>> -> memref<128xi32, #tpu.memory_space<vmem>>
      %dma_start3A_203 = arith.constant 0 : i32
      %dma_start3A_204 = arith.constant 0 : i32
      %dma_start3A_205 = tpu.memref_slice %arg2[%dma_start3A_203, %dma_start3A_204] : memref<10000x16xf32, #tpu.memory_space<hbm>> -> memref<10000x16xf32, #tpu.memory_space<hbm>>
      tpu.enqueue_indirect_dma source(%dma_start3A_205 : memref<10000x16xf32, #tpu.memory_space<hbm>>) target(%dma_start3A_199 : memref<128x16xf32, #tpu.memory_space<vmem>>) offsets(%dma_start3A_202 : memref<128xi32, #tpu.memory_space<vmem>>) semaphore(%arg9 : memref<!tpu.dma_semaphore, #tpu.memory_space<semaphore_mem>>)
      %mul3A_206 = arith.constant 16 : i32
      %mul3A_207 = arith.muli %scan3A_19, %mul3A_206 : i32
      %add3A_208 = arith.constant 8 : i32
      %add3A_209 = arith.addi %mul3A_207, %add3A_208 : i32
      %add3A_210 = arith.constant 4 : i32
      %add3A_211 = arith.addi %add3A_209, %add3A_210 : i32
      %dma_start3A_212 = arith.constant 512 : i32
      %dma_start3A_213 = arith.constant 0 : i32
      %dma_start3A_214 = tpu.memref_slice %arg7[%dma_start3A_212, %dma_start3A_213] : memref<1024x16xf32, #tpu.memory_space<vmem>> -> memref<128x16xf32, #tpu.memory_space<vmem>>
      %dma_start3A_215 = arith.constant 0 : i32
      %dma_start3A_216 = tpu.memref_slice %arg5[%add3A_211, %dma_start3A_215] : memref<80x128xi32, #tpu.memory_space<vmem>> -> memref<1x128xi32, #tpu.memory_space<vmem>>
      %dma_start3A_217 = tpu.memref_squeeze %dma_start3A_216 : memref<1x128xi32, #tpu.memory_space<vmem>> -> memref<128xi32, #tpu.memory_space<vmem>>
      %dma_start3A_218 = arith.constant 0 : i32
      %dma_start3A_219 = arith.constant 0 : i32
      %dma_start3A_220 = tpu.memref_slice %arg2[%dma_start3A_218, %dma_start3A_219] : memref<10000x16xf32, #tpu.memory_space<hbm>> -> memref<10000x16xf32, #tpu.memory_space<hbm>>
      tpu.enqueue_indirect_dma source(%dma_start3A_220 : memref<10000x16xf32, #tpu.memory_space<hbm>>) target(%dma_start3A_214 : memref<128x16xf32, #tpu.memory_space<vmem>>) offsets(%dma_start3A_217 : memref<128xi32, #tpu.memory_space<vmem>>) semaphore(%arg9 : memref<!tpu.dma_semaphore, #tpu.memory_space<semaphore_mem>>)
      %mul3A_221 = arith.constant 16 : i32
      %mul3A_222 = arith.muli %scan3A_19, %mul3A_221 : i32
      %add3A_223 = arith.constant 8 : i32
      %add3A_224 = arith.addi %mul3A_222, %add3A_223 : i32
      %add3A_225 = arith.constant 5 : i32
      %add3A_226 = arith.addi %add3A_224, %add3A_225 : i32
      %dma_start3A_227 = arith.constant 640 : i32
      %dma_start3A_228 = arith.constant 0 : i32
      %dma_start3A_229 = tpu.memref_slice %arg7[%dma_start3A_227, %dma_start3A_228] : memref<1024x16xf32, #tpu.memory_space<vmem>> -> memref<128x16xf32, #tpu.memory_space<vmem>>
      %dma_start3A_230 = arith.constant 0 : i32
      %dma_start3A_231 = tpu.memref_slice %arg5[%add3A_226, %dma_start3A_230] : memref<80x128xi32, #tpu.memory_space<vmem>> -> memref<1x128xi32, #tpu.memory_space<vmem>>
      %dma_start3A_232 = tpu.memref_squeeze %dma_start3A_231 : memref<1x128xi32, #tpu.memory_space<vmem>> -> memref<128xi32, #tpu.memory_space<vmem>>
      %dma_start3A_233 = arith.constant 0 : i32
      %dma_start3A_234 = arith.constant 0 : i32
      %dma_start3A_235 = tpu.memref_slice %arg2[%dma_start3A_233, %dma_start3A_234] : memref<10000x16xf32, #tpu.memory_space<hbm>> -> memref<10000x16xf32, #tpu.memory_space<hbm>>
      tpu.enqueue_indirect_dma source(%dma_start3A_235 : memref<10000x16xf32, #tpu.memory_space<hbm>>) target(%dma_start3A_229 : memref<128x16xf32, #tpu.memory_space<vmem>>) offsets(%dma_start3A_232 : memref<128xi32, #tpu.memory_space<vmem>>) semaphore(%arg9 : memref<!tpu.dma_semaphore, #tpu.memory_space<semaphore_mem>>)
      %mul3A_236 = arith.constant 16 : i32
      %mul3A_237 = arith.muli %scan3A_19, %mul3A_236 : i32
      %add3A_238 = arith.constant 8 : i32
      %add3A_239 = arith.addi %mul3A_237, %add3A_238 : i32
      %add3A_240 = arith.constant 6 : i32
      %add3A_241 = arith.addi %add3A_239, %add3A_240 : i32
      %dma_start3A_242 = arith.constant 768 : i32
      %dma_start3A_243 = arith.constant 0 : i32
      %dma_start3A_244 = tpu.memref_slice %arg7[%dma_start3A_242, %dma_start3A_243] : memref<1024x16xf32, #tpu.memory_space<vmem>> -> memref<128x16xf32, #tpu.memory_space<vmem>>
      %dma_start3A_245 = arith.constant 0 : i32
      %dma_start3A_246 = tpu.memref_slice %arg5[%add3A_241, %dma_start3A_245] : memref<80x128xi32, #tpu.memory_space<vmem>> -> memref<1x128xi32, #tpu.memory_space<vmem>>
      %dma_start3A_247 = tpu.memref_squeeze %dma_start3A_246 : memref<1x128xi32, #tpu.memory_space<vmem>> -> memref<128xi32, #tpu.memory_space<vmem>>
      %dma_start3A_248 = arith.constant 0 : i32
      %dma_start3A_249 = arith.constant 0 : i32
      %dma_start3A_250 = tpu.memref_slice %arg2[%dma_start3A_248, %dma_start3A_249] : memref<10000x16xf32, #tpu.memory_space<hbm>> -> memref<10000x16xf32, #tpu.memory_space<hbm>>
      tpu.enqueue_indirect_dma source(%dma_start3A_250 : memref<10000x16xf32, #tpu.memory_space<hbm>>) target(%dma_start3A_244 : memref<128x16xf32, #tpu.memory_space<vmem>>) offsets(%dma_start3A_247 : memref<128xi32, #tpu.memory_space<vmem>>) semaphore(%arg9 : memref<!tpu.dma_semaphore, #tpu.memory_space<semaphore_mem>>)
      %mul3A_251 = arith.constant 16 : i32
      %mul3A_252 = arith.muli %scan3A_19, %mul3A_251 : i32
      %add3A_253 = arith.constant 8 : i32
      %add3A_254 = arith.addi %mul3A_252, %add3A_253 : i32
      %add3A_255 = arith.constant 7 : i32
      %add3A_256 = arith.addi %add3A_254, %add3A_255 : i32
      %dma_start3A_257 = arith.constant 896 : i32
      %dma_start3A_258 = arith.constant 0 : i32
      %dma_start3A_259 = tpu.memref_slice %arg7[%dma_start3A_257, %dma_start3A_258] : memref<1024x16xf32, #tpu.memory_space<vmem>> -> memref<128x16xf32, #tpu.memory_space<vmem>>
      %dma_start3A_260 = arith.constant 0 : i32
      %dma_start3A_261 = tpu.memref_slice %arg5[%add3A_256, %dma_start3A_260] : memref<80x128xi32, #tpu.memory_space<vmem>> -> memref<1x128xi32, #tpu.memory_space<vmem>>
      %dma_start3A_262 = tpu.memref_squeeze %dma_start3A_261 : memref<1x128xi32, #tpu.memory_space<vmem>> -> memref<128xi32, #tpu.memory_space<vmem>>
      %dma_start3A_263 = arith.constant 0 : i32
      %dma_start3A_264 = arith.constant 0 : i32
      %dma_start3A_265 = tpu.memref_slice %arg2[%dma_start3A_263, %dma_start3A_264] : memref<10000x16xf32, #tpu.memory_space<hbm>> -> memref<10000x16xf32, #tpu.memory_space<hbm>>
      tpu.enqueue_indirect_dma source(%dma_start3A_265 : memref<10000x16xf32, #tpu.memory_space<hbm>>) target(%dma_start3A_259 : memref<128x16xf32, #tpu.memory_space<vmem>>) offsets(%dma_start3A_262 : memref<128xi32, #tpu.memory_space<vmem>>) semaphore(%arg9 : memref<!tpu.dma_semaphore, #tpu.memory_space<semaphore_mem>>)
      %mul3A_266 = arith.constant 16 : i32
      %mul3A_267 = arith.muli %scan3A_19, %mul3A_266 : i32
      %add3A_268 = arith.constant 0 : i32
      %add3A_269 = arith.addi %mul3A_267, %add3A_268 : i32
      %add3A_270 = arith.constant 0 : i32
      %add3A_271 = arith.addi %add3A_269, %add3A_270 : i32
      %dma_wait3A_272 = arith.constant 0 : i32
      %dma_wait3A_273 = arith.constant 0 : i32
      %dma_wait3A_274 = tpu.memref_slice %arg6[%dma_wait3A_272, %dma_wait3A_273] : memref<1024x16xf32, #tpu.memory_space<vmem>> -> memref<128x16xf32, #tpu.memory_space<vmem>>
      %dma_wait3A_275 = arith.constant 0 : i32
      %dma_wait3A_276 = tpu.memref_slice %arg5[%add3A_271, %dma_wait3A_275] : memref<80x128xi32, #tpu.memory_space<vmem>> -> memref<1x128xi32, #tpu.memory_space<vmem>>
      %dma_wait3A_277 = tpu.memref_squeeze %dma_wait3A_276 : memref<1x128xi32, #tpu.memory_space<vmem>> -> memref<128xi32, #tpu.memory_space<vmem>>
      %dma_wait3A_278 = arith.constant 0 : i32
      %dma_wait3A_279 = arith.constant 0 : i32
      %dma_wait3A_280 = tpu.memref_slice %arg2[%dma_wait3A_278, %dma_wait3A_279] : memref<10000x16xf32, #tpu.memory_space<hbm>> -> memref<10000x16xf32, #tpu.memory_space<hbm>>
      tpu.wait_indirect_dma semaphore(%arg8 : memref<!tpu.dma_semaphore, #tpu.memory_space<semaphore_mem>>) src(%dma_wait3A_280 : memref<10000x16xf32, #tpu.memory_space<hbm>>) dst(%dma_wait3A_274 : memref<128x16xf32, #tpu.memory_space<vmem>>)
      %mul3A_281 = arith.constant 16 : i32
      %mul3A_282 = arith.muli %scan3A_19, %mul3A_281 : i32
      %add3A_283 = arith.constant 0 : i32
      %add3A_284 = arith.addi %mul3A_282, %add3A_283 : i32
      %add3A_285 = arith.constant 1 : i32
      %add3A_286 = arith.addi %add3A_284, %add3A_285 : i32
      %dma_wait3A_287 = arith.constant 128 : i32
      %dma_wait3A_288 = arith.constant 0 : i32
      %dma_wait3A_289 = tpu.memref_slice %arg6[%dma_wait3A_287, %dma_wait3A_288] : memref<1024x16xf32, #tpu.memory_space<vmem>> -> memref<128x16xf32, #tpu.memory_space<vmem>>
      %dma_wait3A_290 = arith.constant 0 : i32
      %dma_wait3A_291 = tpu.memref_slice %arg5[%add3A_286, %dma_wait3A_290] : memref<80x128xi32, #tpu.memory_space<vmem>> -> memref<1x128xi32, #tpu.memory_space<vmem>>
      %dma_wait3A_292 = tpu.memref_squeeze %dma_wait3A_291 : memref<1x128xi32, #tpu.memory_space<vmem>> -> memref<128xi32, #tpu.memory_space<vmem>>
      %dma_wait3A_293 = arith.constant 0 : i32
      %dma_wait3A_294 = arith.constant 0 : i32
      %dma_wait3A_295 = tpu.memref_slice %arg2[%dma_wait3A_293, %dma_wait3A_294] : memref<10000x16xf32, #tpu.memory_space<hbm>> -> memref<10000x16xf32, #tpu.memory_space<hbm>>
      tpu.wait_indirect_dma semaphore(%arg8 : memref<!tpu.dma_semaphore, #tpu.memory_space<semaphore_mem>>) src(%dma_wait3A_295 : memref<10000x16xf32, #tpu.memory_space<hbm>>) dst(%dma_wait3A_289 : memref<128x16xf32, #tpu.memory_space<vmem>>)
      %mul3A_296 = arith.constant 16 : i32
      %mul3A_297 = arith.muli %scan3A_19, %mul3A_296 : i32
      %add3A_298 = arith.constant 0 : i32
      %add3A_299 = arith.addi %mul3A_297, %add3A_298 : i32
      %add3A_300 = arith.constant 2 : i32
      %add3A_301 = arith.addi %add3A_299, %add3A_300 : i32
      %dma_wait3A_302 = arith.constant 256 : i32
      %dma_wait3A_303 = arith.constant 0 : i32
      %dma_wait3A_304 = tpu.memref_slice %arg6[%dma_wait3A_302, %dma_wait3A_303] : memref<1024x16xf32, #tpu.memory_space<vmem>> -> memref<128x16xf32, #tpu.memory_space<vmem>>
      %dma_wait3A_305 = arith.constant 0 : i32
      %dma_wait3A_306 = tpu.memref_slice %arg5[%add3A_301, %dma_wait3A_305] : memref<80x128xi32, #tpu.memory_space<vmem>> -> memref<1x128xi32, #tpu.memory_space<vmem>>
      %dma_wait3A_307 = tpu.memref_squeeze %dma_wait3A_306 : memref<1x128xi32, #tpu.memory_space<vmem>> -> memref<128xi32, #tpu.memory_space<vmem>>
      %dma_wait3A_308 = arith.constant 0 : i32
      %dma_wait3A_309 = arith.constant 0 : i32
      %dma_wait3A_310 = tpu.memref_slice %arg2[%dma_wait3A_308, %dma_wait3A_309] : memref<10000x16xf32, #tpu.memory_space<hbm>> -> memref<10000x16xf32, #tpu.memory_space<hbm>>
      tpu.wait_indirect_dma semaphore(%arg8 : memref<!tpu.dma_semaphore, #tpu.memory_space<semaphore_mem>>) src(%dma_wait3A_310 : memref<10000x16xf32, #tpu.memory_space<hbm>>) dst(%dma_wait3A_304 : memref<128x16xf32, #tpu.memory_space<vmem>>)
      %mul3A_311 = arith.constant 16 : i32
      %mul3A_312 = arith.muli %scan3A_19, %mul3A_311 : i32
      %add3A_313 = arith.constant 0 : i32
      %add3A_314 = arith.addi %mul3A_312, %add3A_313 : i32
      %add3A_315 = arith.constant 3 : i32
      %add3A_316 = arith.addi %add3A_314, %add3A_315 : i32
      %dma_wait3A_317 = arith.constant 384 : i32
      %dma_wait3A_318 = arith.constant 0 : i32
      %dma_wait3A_319 = tpu.memref_slice %arg6[%dma_wait3A_317, %dma_wait3A_318] : memref<1024x16xf32, #tpu.memory_space<vmem>> -> memref<128x16xf32, #tpu.memory_space<vmem>>
      %dma_wait3A_320 = arith.constant 0 : i32
      %dma_wait3A_321 = tpu.memref_slice %arg5[%add3A_316, %dma_wait3A_320] : memref<80x128xi32, #tpu.memory_space<vmem>> -> memref<1x128xi32, #tpu.memory_space<vmem>>
      %dma_wait3A_322 = tpu.memref_squeeze %dma_wait3A_321 : memref<1x128xi32, #tpu.memory_space<vmem>> -> memref<128xi32, #tpu.memory_space<vmem>>
      %dma_wait3A_323 = arith.constant 0 : i32
      %dma_wait3A_324 = arith.constant 0 : i32
      %dma_wait3A_325 = tpu.memref_slice %arg2[%dma_wait3A_323, %dma_wait3A_324] : memref<10000x16xf32, #tpu.memory_space<hbm>> -> memref<10000x16xf32, #tpu.memory_space<hbm>>
      tpu.wait_indirect_dma semaphore(%arg8 : memref<!tpu.dma_semaphore, #tpu.memory_space<semaphore_mem>>) src(%dma_wait3A_325 : memref<10000x16xf32, #tpu.memory_space<hbm>>) dst(%dma_wait3A_319 : memref<128x16xf32, #tpu.memory_space<vmem>>)
      %mul3A_326 = arith.constant 16 : i32
      %mul3A_327 = arith.muli %scan3A_19, %mul3A_326 : i32
      %add3A_328 = arith.constant 0 : i32
      %add3A_329 = arith.addi %mul3A_327, %add3A_328 : i32
      %add3A_330 = arith.constant 4 : i32
      %add3A_331 = arith.addi %add3A_329, %add3A_330 : i32
      %dma_wait3A_332 = arith.constant 512 : i32
      %dma_wait3A_333 = arith.constant 0 : i32
      %dma_wait3A_334 = tpu.memref_slice %arg6[%dma_wait3A_332, %dma_wait3A_333] : memref<1024x16xf32, #tpu.memory_space<vmem>> -> memref<128x16xf32, #tpu.memory_space<vmem>>
      %dma_wait3A_335 = arith.constant 0 : i32
      %dma_wait3A_336 = tpu.memref_slice %arg5[%add3A_331, %dma_wait3A_335] : memref<80x128xi32, #tpu.memory_space<vmem>> -> memref<1x128xi32, #tpu.memory_space<vmem>>
      %dma_wait3A_337 = tpu.memref_squeeze %dma_wait3A_336 : memref<1x128xi32, #tpu.memory_space<vmem>> -> memref<128xi32, #tpu.memory_space<vmem>>
      %dma_wait3A_338 = arith.constant 0 : i32
      %dma_wait3A_339 = arith.constant 0 : i32
      %dma_wait3A_340 = tpu.memref_slice %arg2[%dma_wait3A_338, %dma_wait3A_339] : memref<10000x16xf32, #tpu.memory_space<hbm>> -> memref<10000x16xf32, #tpu.memory_space<hbm>>
      tpu.wait_indirect_dma semaphore(%arg8 : memref<!tpu.dma_semaphore, #tpu.memory_space<semaphore_mem>>) src(%dma_wait3A_340 : memref<10000x16xf32, #tpu.memory_space<hbm>>) dst(%dma_wait3A_334 : memref<128x16xf32, #tpu.memory_space<vmem>>)
      %mul3A_341 = arith.constant 16 : i32
      %mul3A_342 = arith.muli %scan3A_19, %mul3A_341 : i32
      %add3A_343 = arith.constant 0 : i32
      %add3A_344 = arith.addi %mul3A_342, %add3A_343 : i32
      %add3A_345 = arith.constant 5 : i32
      %add3A_346 = arith.addi %add3A_344, %add3A_345 : i32
      %dma_wait3A_347 = arith.constant 640 : i32
      %dma_wait3A_348 = arith.constant 0 : i32
      %dma_wait3A_349 = tpu.memref_slice %arg6[%dma_wait3A_347, %dma_wait3A_348] : memref<1024x16xf32, #tpu.memory_space<vmem>> -> memref<128x16xf32, #tpu.memory_space<vmem>>
      %dma_wait3A_350 = arith.constant 0 : i32
      %dma_wait3A_351 = tpu.memref_slice %arg5[%add3A_346, %dma_wait3A_350] : memref<80x128xi32, #tpu.memory_space<vmem>> -> memref<1x128xi32, #tpu.memory_space<vmem>>
      %dma_wait3A_352 = tpu.memref_squeeze %dma_wait3A_351 : memref<1x128xi32, #tpu.memory_space<vmem>> -> memref<128xi32, #tpu.memory_space<vmem>>
      %dma_wait3A_353 = arith.constant 0 : i32
      %dma_wait3A_354 = arith.constant 0 : i32
      %dma_wait3A_355 = tpu.memref_slice %arg2[%dma_wait3A_353, %dma_wait3A_354] : memref<10000x16xf32, #tpu.memory_space<hbm>> -> memref<10000x16xf32, #tpu.memory_space<hbm>>
      tpu.wait_indirect_dma semaphore(%arg8 : memref<!tpu.dma_semaphore, #tpu.memory_space<semaphore_mem>>) src(%dma_wait3A_355 : memref<10000x16xf32, #tpu.memory_space<hbm>>) dst(%dma_wait3A_349 : memref<128x16xf32, #tpu.memory_space<vmem>>)
      %mul3A_356 = arith.constant 16 : i32
      %mul3A_357 = arith.muli %scan3A_19, %mul3A_356 : i32
      %add3A_358 = arith.constant 0 : i32
      %add3A_359 = arith.addi %mul3A_357, %add3A_358 : i32
      %add3A_360 = arith.constant 6 : i32
      %add3A_361 = arith.addi %add3A_359, %add3A_360 : i32
      %dma_wait3A_362 = arith.constant 768 : i32
      %dma_wait3A_363 = arith.constant 0 : i32
      %dma_wait3A_364 = tpu.memref_slice %arg6[%dma_wait3A_362, %dma_wait3A_363] : memref<1024x16xf32, #tpu.memory_space<vmem>> -> memref<128x16xf32, #tpu.memory_space<vmem>>
      %dma_wait3A_365 = arith.constant 0 : i32
      %dma_wait3A_366 = tpu.memref_slice %arg5[%add3A_361, %dma_wait3A_365] : memref<80x128xi32, #tpu.memory_space<vmem>> -> memref<1x128xi32, #tpu.memory_space<vmem>>
      %dma_wait3A_367 = tpu.memref_squeeze %dma_wait3A_366 : memref<1x128xi32, #tpu.memory_space<vmem>> -> memref<128xi32, #tpu.memory_space<vmem>>
      %dma_wait3A_368 = arith.constant 0 : i32
      %dma_wait3A_369 = arith.constant 0 : i32
      %dma_wait3A_370 = tpu.memref_slice %arg2[%dma_wait3A_368, %dma_wait3A_369] : memref<10000x16xf32, #tpu.memory_space<hbm>> -> memref<10000x16xf32, #tpu.memory_space<hbm>>
      tpu.wait_indirect_dma semaphore(%arg8 : memref<!tpu.dma_semaphore, #tpu.memory_space<semaphore_mem>>) src(%dma_wait3A_370 : memref<10000x16xf32, #tpu.memory_space<hbm>>) dst(%dma_wait3A_364 : memref<128x16xf32, #tpu.memory_space<vmem>>)
      %mul3A_371 = arith.constant 16 : i32
      %mul3A_372 = arith.muli %scan3A_19, %mul3A_371 : i32
      %add3A_373 = arith.constant 0 : i32
      %add3A_374 = arith.addi %mul3A_372, %add3A_373 : i32
      %add3A_375 = arith.constant 7 : i32
      %add3A_376 = arith.addi %add3A_374, %add3A_375 : i32
      %dma_wait3A_377 = arith.constant 896 : i32
      %dma_wait3A_378 = arith.constant 0 : i32
      %dma_wait3A_379 = tpu.memref_slice %arg6[%dma_wait3A_377, %dma_wait3A_378] : memref<1024x16xf32, #tpu.memory_space<vmem>> -> memref<128x16xf32, #tpu.memory_space<vmem>>
      %dma_wait3A_380 = arith.constant 0 : i32
      %dma_wait3A_381 = tpu.memref_slice %arg5[%add3A_376, %dma_wait3A_380] : memref<80x128xi32, #tpu.memory_space<vmem>> -> memref<1x128xi32, #tpu.memory_space<vmem>>
      %dma_wait3A_382 = tpu.memref_squeeze %dma_wait3A_381 : memref<1x128xi32, #tpu.memory_space<vmem>> -> memref<128xi32, #tpu.memory_space<vmem>>
      %dma_wait3A_383 = arith.constant 0 : i32
      %dma_wait3A_384 = arith.constant 0 : i32
      %dma_wait3A_385 = tpu.memref_slice %arg2[%dma_wait3A_383, %dma_wait3A_384] : memref<10000x16xf32, #tpu.memory_space<hbm>> -> memref<10000x16xf32, #tpu.memory_space<hbm>>
      tpu.wait_indirect_dma semaphore(%arg8 : memref<!tpu.dma_semaphore, #tpu.memory_space<semaphore_mem>>) src(%dma_wait3A_385 : memref<10000x16xf32, #tpu.memory_space<hbm>>) dst(%dma_wait3A_379 : memref<128x16xf32, #tpu.memory_space<vmem>>)
      %mul3A_386 = arith.constant 80 : i32
      %mul3A_387 = arith.muli %add3A, %mul3A_386 : i32
      %mul3A_388 = arith.constant 16 : i32
      %mul3A_389 = arith.muli %scan3A_19, %mul3A_388 : i32
      %add3A_390 = arith.addi %mul3A_387, %mul3A_389 : i32
      %add3A_391 = arith.constant 0 : i32
      %add3A_392 = arith.addi %add3A_390, %add3A_391 : i32
      %mul3A_393 = arith.constant 128 : i32
      %mul3A_394 = arith.muli %add3A_392, %mul3A_393 : i32
      %dma_start3A_395 = arith.constant 0 : i32
      %dma_start3A_396 = tpu.memref_slice %arg4[%mul3A_394, %dma_start3A_395] : memref<327680x16xf32, #tpu.memory_space<hbm>> -> memref<1024x16xf32, #tpu.memory_space<hbm>>
      %dma_start3A_397 = arith.constant 0 : i32
      %dma_start3A_398 = tpu.memref_slice %arg4[%mul3A_394, %dma_start3A_397] : memref<327680x16xf32, #tpu.memory_space<hbm>> -> memref<1024x16xf32, #tpu.memory_space<hbm>>
      tpu.enqueue_dma source(%arg6 : memref<1024x16xf32, #tpu.memory_space<vmem>>) target(%dma_start3A_398 : memref<1024x16xf32, #tpu.memory_space<hbm>>) target_semaphore(%arg10 : memref<!tpu.dma_semaphore, #tpu.memory_space<semaphore_mem>>)
      %mul3A_399 = arith.constant 16 : i32
      %mul3A_400 = arith.muli %scan3A_19, %mul3A_399 : i32
      %add3A_401 = arith.constant 8 : i32
      %add3A_402 = arith.addi %mul3A_400, %add3A_401 : i32
      %add3A_403 = arith.constant 0 : i32
      %add3A_404 = arith.addi %add3A_402, %add3A_403 : i32
      %dma_wait3A_405 = arith.constant 0 : i32
      %dma_wait3A_406 = arith.constant 0 : i32
      %dma_wait3A_407 = tpu.memref_slice %arg7[%dma_wait3A_405, %dma_wait3A_406] : memref<1024x16xf32, #tpu.memory_space<vmem>> -> memref<128x16xf32, #tpu.memory_space<vmem>>
      %dma_wait3A_408 = arith.constant 0 : i32
      %dma_wait3A_409 = tpu.memref_slice %arg5[%add3A_404, %dma_wait3A_408] : memref<80x128xi32, #tpu.memory_space<vmem>> -> memref<1x128xi32, #tpu.memory_space<vmem>>
      %dma_wait3A_410 = tpu.memref_squeeze %dma_wait3A_409 : memref<1x128xi32, #tpu.memory_space<vmem>> -> memref<128xi32, #tpu.memory_space<vmem>>
      %dma_wait3A_411 = arith.constant 0 : i32
      %dma_wait3A_412 = arith.constant 0 : i32
      %dma_wait3A_413 = tpu.memref_slice %arg2[%dma_wait3A_411, %dma_wait3A_412] : memref<10000x16xf32, #tpu.memory_space<hbm>> -> memref<10000x16xf32, #tpu.memory_space<hbm>>
      tpu.wait_indirect_dma semaphore(%arg9 : memref<!tpu.dma_semaphore, #tpu.memory_space<semaphore_mem>>) src(%dma_wait3A_413 : memref<10000x16xf32, #tpu.memory_space<hbm>>) dst(%dma_wait3A_407 : memref<128x16xf32, #tpu.memory_space<vmem>>)
      %mul3A_414 = arith.constant 16 : i32
      %mul3A_415 = arith.muli %scan3A_19, %mul3A_414 : i32
      %add3A_416 = arith.constant 8 : i32
      %add3A_417 = arith.addi %mul3A_415, %add3A_416 : i32
      %add3A_418 = arith.constant 1 : i32
      %add3A_419 = arith.addi %add3A_417, %add3A_418 : i32
      %dma_wait3A_420 = arith.constant 128 : i32
      %dma_wait3A_421 = arith.constant 0 : i32
      %dma_wait3A_422 = tpu.memref_slice %arg7[%dma_wait3A_420, %dma_wait3A_421] : memref<1024x16xf32, #tpu.memory_space<vmem>> -> memref<128x16xf32, #tpu.memory_space<vmem>>
      %dma_wait3A_423 = arith.constant 0 : i32
      %dma_wait3A_424 = tpu.memref_slice %arg5[%add3A_419, %dma_wait3A_423] : memref<80x128xi32, #tpu.memory_space<vmem>> -> memref<1x128xi32, #tpu.memory_space<vmem>>
      %dma_wait3A_425 = tpu.memref_squeeze %dma_wait3A_424 : memref<1x128xi32, #tpu.memory_space<vmem>> -> memref<128xi32, #tpu.memory_space<vmem>>
      %dma_wait3A_426 = arith.constant 0 : i32
      %dma_wait3A_427 = arith.constant 0 : i32
      %dma_wait3A_428 = tpu.memref_slice %arg2[%dma_wait3A_426, %dma_wait3A_427] : memref<10000x16xf32, #tpu.memory_space<hbm>> -> memref<10000x16xf32, #tpu.memory_space<hbm>>
      tpu.wait_indirect_dma semaphore(%arg9 : memref<!tpu.dma_semaphore, #tpu.memory_space<semaphore_mem>>) src(%dma_wait3A_428 : memref<10000x16xf32, #tpu.memory_space<hbm>>) dst(%dma_wait3A_422 : memref<128x16xf32, #tpu.memory_space<vmem>>)
      %mul3A_429 = arith.constant 16 : i32
      %mul3A_430 = arith.muli %scan3A_19, %mul3A_429 : i32
      %add3A_431 = arith.constant 8 : i32
      %add3A_432 = arith.addi %mul3A_430, %add3A_431 : i32
      %add3A_433 = arith.constant 2 : i32
      %add3A_434 = arith.addi %add3A_432, %add3A_433 : i32
      %dma_wait3A_435 = arith.constant 256 : i32
      %dma_wait3A_436 = arith.constant 0 : i32
      %dma_wait3A_437 = tpu.memref_slice %arg7[%dma_wait3A_435, %dma_wait3A_436] : memref<1024x16xf32, #tpu.memory_space<vmem>> -> memref<128x16xf32, #tpu.memory_space<vmem>>
      %dma_wait3A_438 = arith.constant 0 : i32
      %dma_wait3A_439 = tpu.memref_slice %arg5[%add3A_434, %dma_wait3A_438] : memref<80x128xi32, #tpu.memory_space<vmem>> -> memref<1x128xi32, #tpu.memory_space<vmem>>
      %dma_wait3A_440 = tpu.memref_squeeze %dma_wait3A_439 : memref<1x128xi32, #tpu.memory_space<vmem>> -> memref<128xi32, #tpu.memory_space<vmem>>
      %dma_wait3A_441 = arith.constant 0 : i32
      %dma_wait3A_442 = arith.constant 0 : i32
      %dma_wait3A_443 = tpu.memref_slice %arg2[%dma_wait3A_441, %dma_wait3A_442] : memref<10000x16xf32, #tpu.memory_space<hbm>> -> memref<10000x16xf32, #tpu.memory_space<hbm>>
      tpu.wait_indirect_dma semaphore(%arg9 : memref<!tpu.dma_semaphore, #tpu.memory_space<semaphore_mem>>) src(%dma_wait3A_443 : memref<10000x16xf32, #tpu.memory_space<hbm>>) dst(%dma_wait3A_437 : memref<128x16xf32, #tpu.memory_space<vmem>>)
      %mul3A_444 = arith.constant 16 : i32
      %mul3A_445 = arith.muli %scan3A_19, %mul3A_444 : i32
      %add3A_446 = arith.constant 8 : i32
      %add3A_447 = arith.addi %mul3A_445, %add3A_446 : i32
      %add3A_448 = arith.constant 3 : i32
      %add3A_449 = arith.addi %add3A_447, %add3A_448 : i32
      %dma_wait3A_450 = arith.constant 384 : i32
      %dma_wait3A_451 = arith.constant 0 : i32
      %dma_wait3A_452 = tpu.memref_slice %arg7[%dma_wait3A_450, %dma_wait3A_451] : memref<1024x16xf32, #tpu.memory_space<vmem>> -> memref<128x16xf32, #tpu.memory_space<vmem>>
      %dma_wait3A_453 = arith.constant 0 : i32
      %dma_wait3A_454 = tpu.memref_slice %arg5[%add3A_449, %dma_wait3A_453] : memref<80x128xi32, #tpu.memory_space<vmem>> -> memref<1x128xi32, #tpu.memory_space<vmem>>
      %dma_wait3A_455 = tpu.memref_squeeze %dma_wait3A_454 : memref<1x128xi32, #tpu.memory_space<vmem>> -> memref<128xi32, #tpu.memory_space<vmem>>
      %dma_wait3A_456 = arith.constant 0 : i32
      %dma_wait3A_457 = arith.constant 0 : i32
      %dma_wait3A_458 = tpu.memref_slice %arg2[%dma_wait3A_456, %dma_wait3A_457] : memref<10000x16xf32, #tpu.memory_space<hbm>> -> memref<10000x16xf32, #tpu.memory_space<hbm>>
      tpu.wait_indirect_dma semaphore(%arg9 : memref<!tpu.dma_semaphore, #tpu.memory_space<semaphore_mem>>) src(%dma_wait3A_458 : memref<10000x16xf32, #tpu.memory_space<hbm>>) dst(%dma_wait3A_452 : memref<128x16xf32, #tpu.memory_space<vmem>>)
      %mul3A_459 = arith.constant 16 : i32
      %mul3A_460 = arith.muli %scan3A_19, %mul3A_459 : i32
      %add3A_461 = arith.constant 8 : i32
      %add3A_462 = arith.addi %mul3A_460, %add3A_461 : i32
      %add3A_463 = arith.constant 4 : i32
      %add3A_464 = arith.addi %add3A_462, %add3A_463 : i32
      %dma_wait3A_465 = arith.constant 512 : i32
      %dma_wait3A_466 = arith.constant 0 : i32
      %dma_wait3A_467 = tpu.memref_slice %arg7[%dma_wait3A_465, %dma_wait3A_466] : memref<1024x16xf32, #tpu.memory_space<vmem>> -> memref<128x16xf32, #tpu.memory_space<vmem>>
      %dma_wait3A_468 = arith.constant 0 : i32
      %dma_wait3A_469 = tpu.memref_slice %arg5[%add3A_464, %dma_wait3A_468] : memref<80x128xi32, #tpu.memory_space<vmem>> -> memref<1x128xi32, #tpu.memory_space<vmem>>
      %dma_wait3A_470 = tpu.memref_squeeze %dma_wait3A_469 : memref<1x128xi32, #tpu.memory_space<vmem>> -> memref<128xi32, #tpu.memory_space<vmem>>
      %dma_wait3A_471 = arith.constant 0 : i32
      %dma_wait3A_472 = arith.constant 0 : i32
      %dma_wait3A_473 = tpu.memref_slice %arg2[%dma_wait3A_471, %dma_wait3A_472] : memref<10000x16xf32, #tpu.memory_space<hbm>> -> memref<10000x16xf32, #tpu.memory_space<hbm>>
      tpu.wait_indirect_dma semaphore(%arg9 : memref<!tpu.dma_semaphore, #tpu.memory_space<semaphore_mem>>) src(%dma_wait3A_473 : memref<10000x16xf32, #tpu.memory_space<hbm>>) dst(%dma_wait3A_467 : memref<128x16xf32, #tpu.memory_space<vmem>>)
      %mul3A_474 = arith.constant 16 : i32
      %mul3A_475 = arith.muli %scan3A_19, %mul3A_474 : i32
      %add3A_476 = arith.constant 8 : i32
      %add3A_477 = arith.addi %mul3A_475, %add3A_476 : i32
      %add3A_478 = arith.constant 5 : i32
      %add3A_479 = arith.addi %add3A_477, %add3A_478 : i32
      %dma_wait3A_480 = arith.constant 640 : i32
      %dma_wait3A_481 = arith.constant 0 : i32
      %dma_wait3A_482 = tpu.memref_slice %arg7[%dma_wait3A_480, %dma_wait3A_481] : memref<1024x16xf32, #tpu.memory_space<vmem>> -> memref<128x16xf32, #tpu.memory_space<vmem>>
      %dma_wait3A_483 = arith.constant 0 : i32
      %dma_wait3A_484 = tpu.memref_slice %arg5[%add3A_479, %dma_wait3A_483] : memref<80x128xi32, #tpu.memory_space<vmem>> -> memref<1x128xi32, #tpu.memory_space<vmem>>
      %dma_wait3A_485 = tpu.memref_squeeze %dma_wait3A_484 : memref<1x128xi32, #tpu.memory_space<vmem>> -> memref<128xi32, #tpu.memory_space<vmem>>
      %dma_wait3A_486 = arith.constant 0 : i32
      %dma_wait3A_487 = arith.constant 0 : i32
      %dma_wait3A_488 = tpu.memref_slice %arg2[%dma_wait3A_486, %dma_wait3A_487] : memref<10000x16xf32, #tpu.memory_space<hbm>> -> memref<10000x16xf32, #tpu.memory_space<hbm>>
      tpu.wait_indirect_dma semaphore(%arg9 : memref<!tpu.dma_semaphore, #tpu.memory_space<semaphore_mem>>) src(%dma_wait3A_488 : memref<10000x16xf32, #tpu.memory_space<hbm>>) dst(%dma_wait3A_482 : memref<128x16xf32, #tpu.memory_space<vmem>>)
      %mul3A_489 = arith.constant 16 : i32
      %mul3A_490 = arith.muli %scan3A_19, %mul3A_489 : i32
      %add3A_491 = arith.constant 8 : i32
      %add3A_492 = arith.addi %mul3A_490, %add3A_491 : i32
      %add3A_493 = arith.constant 6 : i32
      %add3A_494 = arith.addi %add3A_492, %add3A_493 : i32
      %dma_wait3A_495 = arith.constant 768 : i32
      %dma_wait3A_496 = arith.constant 0 : i32
      %dma_wait3A_497 = tpu.memref_slice %arg7[%dma_wait3A_495, %dma_wait3A_496] : memref<1024x16xf32, #tpu.memory_space<vmem>> -> memref<128x16xf32, #tpu.memory_space<vmem>>
      %dma_wait3A_498 = arith.constant 0 : i32
      %dma_wait3A_499 = tpu.memref_slice %arg5[%add3A_494, %dma_wait3A_498] : memref<80x128xi32, #tpu.memory_space<vmem>> -> memref<1x128xi32, #tpu.memory_space<vmem>>
      %dma_wait3A_500 = tpu.memref_squeeze %dma_wait3A_499 : memref<1x128xi32, #tpu.memory_space<vmem>> -> memref<128xi32, #tpu.memory_space<vmem>>
      %dma_wait3A_501 = arith.constant 0 : i32
      %dma_wait3A_502 = arith.constant 0 : i32
      %dma_wait3A_503 = tpu.memref_slice %arg2[%dma_wait3A_501, %dma_wait3A_502] : memref<10000x16xf32, #tpu.memory_space<hbm>> -> memref<10000x16xf32, #tpu.memory_space<hbm>>
      tpu.wait_indirect_dma semaphore(%arg9 : memref<!tpu.dma_semaphore, #tpu.memory_space<semaphore_mem>>) src(%dma_wait3A_503 : memref<10000x16xf32, #tpu.memory_space<hbm>>) dst(%dma_wait3A_497 : memref<128x16xf32, #tpu.memory_space<vmem>>)
      %mul3A_504 = arith.constant 16 : i32
      %mul3A_505 = arith.muli %scan3A_19, %mul3A_504 : i32
      %add3A_506 = arith.constant 8 : i32
      %add3A_507 = arith.addi %mul3A_505, %add3A_506 : i32
      %add3A_508 = arith.constant 7 : i32
      %add3A_509 = arith.addi %add3A_507, %add3A_508 : i32
      %dma_wait3A_510 = arith.constant 896 : i32
      %dma_wait3A_511 = arith.constant 0 : i32
      %dma_wait3A_512 = tpu.memref_slice %arg7[%dma_wait3A_510, %dma_wait3A_511] : memref<1024x16xf32, #tpu.memory_space<vmem>> -> memref<128x16xf32, #tpu.memory_space<vmem>>
      %dma_wait3A_513 = arith.constant 0 : i32
      %dma_wait3A_514 = tpu.memref_slice %arg5[%add3A_509, %dma_wait3A_513] : memref<80x128xi32, #tpu.memory_space<vmem>> -> memref<1x128xi32, #tpu.memory_space<vmem>>
      %dma_wait3A_515 = tpu.memref_squeeze %dma_wait3A_514 : memref<1x128xi32, #tpu.memory_space<vmem>> -> memref<128xi32, #tpu.memory_space<vmem>>
      %dma_wait3A_516 = arith.constant 0 : i32
      %dma_wait3A_517 = arith.constant 0 : i32
      %dma_wait3A_518 = tpu.memref_slice %arg2[%dma_wait3A_516, %dma_wait3A_517] : memref<10000x16xf32, #tpu.memory_space<hbm>> -> memref<10000x16xf32, #tpu.memory_space<hbm>>
      tpu.wait_indirect_dma semaphore(%arg9 : memref<!tpu.dma_semaphore, #tpu.memory_space<semaphore_mem>>) src(%dma_wait3A_518 : memref<10000x16xf32, #tpu.memory_space<hbm>>) dst(%dma_wait3A_512 : memref<128x16xf32, #tpu.memory_space<vmem>>)
      %mul3A_519 = arith.constant 80 : i32
      %mul3A_520 = arith.muli %add3A, %mul3A_519 : i32
      %mul3A_521 = arith.constant 16 : i32
      %mul3A_522 = arith.muli %scan3A_19, %mul3A_521 : i32
      %add3A_523 = arith.addi %mul3A_520, %mul3A_522 : i32
      %add3A_524 = arith.constant 8 : i32
      %add3A_525 = arith.addi %add3A_523, %add3A_524 : i32
      %mul3A_526 = arith.constant 128 : i32
      %mul3A_527 = arith.muli %add3A_525, %mul3A_526 : i32
      %dma_start3A_528 = arith.constant 0 : i32
      %dma_start3A_529 = tpu.memref_slice %arg4[%mul3A_527, %dma_start3A_528] : memref<327680x16xf32, #tpu.memory_space<hbm>> -> memref<1024x16xf32, #tpu.memory_space<hbm>>
      %dma_start3A_530 = arith.constant 0 : i32
      %dma_start3A_531 = tpu.memref_slice %arg4[%mul3A_527, %dma_start3A_530] : memref<327680x16xf32, #tpu.memory_space<hbm>> -> memref<1024x16xf32, #tpu.memory_space<hbm>>
      tpu.enqueue_dma source(%arg7 : memref<1024x16xf32, #tpu.memory_space<vmem>>) target(%dma_start3A_531 : memref<1024x16xf32, #tpu.memory_space<hbm>>) target_semaphore(%arg11 : memref<!tpu.dma_semaphore, #tpu.memory_space<semaphore_mem>>)
    }
    %scan3A_7 = arith.constant 5 : i32
    %dma_wait3A = arith.constant 0 : i32
    %dma_wait3A_8 = arith.constant 0 : i32
    %dma_wait3A_9 = tpu.memref_slice %arg4[%dma_wait3A, %dma_wait3A_8] : memref<327680x16xf32, #tpu.memory_space<hbm>> -> memref<1024x16xf32, #tpu.memory_space<hbm>>
    %dma_wait3A_10 = arith.constant 0 : i32
    %dma_wait3A_11 = arith.constant 0 : i32
    %dma_wait3A_12 = tpu.memref_slice %arg4[%dma_wait3A_10, %dma_wait3A_11] : memref<327680x16xf32, #tpu.memory_space<hbm>> -> memref<1024x16xf32, #tpu.memory_space<hbm>>
    tpu.wait_dma2 semaphore(%arg10 : memref<!tpu.dma_semaphore, #tpu.memory_space<semaphore_mem>>) src(%arg6 : memref<1024x16xf32, #tpu.memory_space<vmem>>) dst(%dma_wait3A_12 : memref<1024x16xf32, #tpu.memory_space<hbm>>)
    %dma_wait3A_13 = arith.constant 0 : i32
    %dma_wait3A_14 = arith.constant 0 : i32
    %dma_wait3A_15 = tpu.memref_slice %arg4[%dma_wait3A_13, %dma_wait3A_14] : memref<327680x16xf32, #tpu.memory_space<hbm>> -> memref<1024x16xf32, #tpu.memory_space<hbm>>
    %dma_wait3A_16 = arith.constant 0 : i32
    %dma_wait3A_17 = arith.constant 0 : i32
    %dma_wait3A_18 = tpu.memref_slice %arg4[%dma_wait3A_16, %dma_wait3A_17] : memref<327680x16xf32, #tpu.memory_space<hbm>> -> memref<1024x16xf32, #tpu.memory_space<hbm>>
    tpu.wait_dma2 semaphore(%arg11 : memref<!tpu.dma_semaphore, #tpu.memory_space<semaphore_mem>>) src(%arg7 : memref<1024x16xf32, #tpu.memory_space<vmem>>) dst(%dma_wait3A_18 : memref<1024x16xf32, #tpu.memory_space<hbm>>)
    return
  }
}

#map = affine_map<(d0, d1) -> (0, 0)>
#map1 = affine_map<(d0, d1) -> (0, 0, 0)>
module attributes {stable_mosaic.version = 14 : i64} {
  func.func @scatter_k(%arg0: i32, %arg1: i32, %arg2: memref<327680x16xf32, #tpu.memory_space<hbm>>, %arg3: memref<2560x128xi32, #tpu.memory_space<hbm>>, %arg4: memref<10112x16xf32, #tpu.memory_space<hbm>>, %arg5: memref<2x10112x16xf32, #tpu.memory_space<hbm>>, %arg6: memref<80x128xi32, #tpu.memory_space<vmem>>, %arg7: memref<1024x16xf32, #tpu.memory_space<vmem>>, %arg8: memref<1024x16xf32, #tpu.memory_space<vmem>>, %arg9: memref<10112x16xf32, #tpu.memory_space<vmem_shared>>, %arg10: memref<!tpu.dma_semaphore, #tpu.memory_space<semaphore_mem>>, %arg11: memref<!tpu.dma_semaphore, #tpu.memory_space<semaphore_mem>>) attributes {dimension_semantics = [#tpu.dimension_semantics<core_parallel>, #tpu.dimension_semantics<subcore_parallel>], iteration_bounds = array<i64: 2, 16>, scalar_prefetch = 0 : i64, scratch_operands = 6 : i64, tpu.core_type = #tpu.core_type<sc_vector_subcore>, window_params = [{transform_indices = #map}, {transform_indices = #map}, {transform_indices = #map}, {transform_indices = #map1}]} {
    %mul3A = arith.constant 16 : i32
    %mul3A_0 = arith.muli %arg0, %mul3A : i32
    %add3A = arith.addi %mul3A_0, %arg1 : i32
    %mul3A_1 = arith.constant 632 : i32
    %mul3A_2 = arith.muli %arg1, %mul3A_1 : i32
    %mul3A_3 = arith.constant 632 : i32
    %mul3A_4 = arith.muli %arg1, %mul3A_3 : i32
    "tpu.region"() ({
      %run_scoped3A = tpu.sem_alloc : memref<!tpu.dma_semaphore, #tpu.memory_space<semaphore_mem>>
      %dma_start3A_33 = arith.constant 0 : i32
      %dma_start3A_34 = tpu.memref_slice %arg9[%mul3A_4, %dma_start3A_33] : memref<10112x16xf32, #tpu.memory_space<vmem_shared>> -> memref<632x16xf32, #tpu.memory_space<vmem_shared>>
      %dma_start3A_35 = arith.constant 0 : i32
      %dma_start3A_36 = tpu.memref_slice %arg4[%mul3A_2, %dma_start3A_35] : memref<10112x16xf32, #tpu.memory_space<hbm>> -> memref<632x16xf32, #tpu.memory_space<hbm>>
      tpu.enqueue_dma source(%dma_start3A_36 : memref<632x16xf32, #tpu.memory_space<hbm>>) target(%dma_start3A_34 : memref<632x16xf32, #tpu.memory_space<vmem_shared>>) target_semaphore(%run_scoped3A : memref<!tpu.dma_semaphore, #tpu.memory_space<semaphore_mem>>)
      %dma_wait3A_37 = arith.constant 0 : i32
      %dma_wait3A_38 = tpu.memref_slice %arg9[%mul3A_4, %dma_wait3A_37] : memref<10112x16xf32, #tpu.memory_space<vmem_shared>> -> memref<632x16xf32, #tpu.memory_space<vmem_shared>>
      %dma_wait3A_39 = arith.constant 0 : i32
      %dma_wait3A_40 = tpu.memref_slice %arg4[%mul3A_2, %dma_wait3A_39] : memref<10112x16xf32, #tpu.memory_space<hbm>> -> memref<632x16xf32, #tpu.memory_space<hbm>>
      tpu.wait_dma2 semaphore(%run_scoped3A : memref<!tpu.dma_semaphore, #tpu.memory_space<semaphore_mem>>) src(%dma_wait3A_40 : memref<632x16xf32, #tpu.memory_space<hbm>>) dst(%dma_wait3A_38 : memref<632x16xf32, #tpu.memory_space<vmem_shared>>)
      tpu.yield
    }) : () -> ()
    %mul3A_5 = arith.constant 80 : i32
    %mul3A_6 = arith.muli %add3A, %mul3A_5 : i32
    "tpu.region"() ({
      %run_scoped3A = tpu.sem_alloc : memref<!tpu.dma_semaphore, #tpu.memory_space<semaphore_mem>>
      %dma_start3A_33 = arith.constant 0 : i32
      %dma_start3A_34 = tpu.memref_slice %arg3[%mul3A_6, %dma_start3A_33] : memref<2560x128xi32, #tpu.memory_space<hbm>> -> memref<80x128xi32, #tpu.memory_space<hbm>>
      %dma_start3A_35 = arith.constant 0 : i32
      %dma_start3A_36 = tpu.memref_slice %arg3[%mul3A_6, %dma_start3A_35] : memref<2560x128xi32, #tpu.memory_space<hbm>> -> memref<80x128xi32, #tpu.memory_space<hbm>>
      tpu.enqueue_dma source(%dma_start3A_36 : memref<80x128xi32, #tpu.memory_space<hbm>>) target(%arg6 : memref<80x128xi32, #tpu.memory_space<vmem>>) target_semaphore(%run_scoped3A : memref<!tpu.dma_semaphore, #tpu.memory_space<semaphore_mem>>)
      %dma_wait3A_37 = arith.constant 0 : i32
      %dma_wait3A_38 = tpu.memref_slice %arg3[%mul3A_6, %dma_wait3A_37] : memref<2560x128xi32, #tpu.memory_space<hbm>> -> memref<80x128xi32, #tpu.memory_space<hbm>>
      %dma_wait3A_39 = arith.constant 0 : i32
      %dma_wait3A_40 = tpu.memref_slice %arg3[%mul3A_6, %dma_wait3A_39] : memref<2560x128xi32, #tpu.memory_space<hbm>> -> memref<80x128xi32, #tpu.memory_space<hbm>>
      tpu.wait_dma2 semaphore(%run_scoped3A : memref<!tpu.dma_semaphore, #tpu.memory_space<semaphore_mem>>) src(%dma_wait3A_40 : memref<80x128xi32, #tpu.memory_space<hbm>>) dst(%arg6 : memref<80x128xi32, #tpu.memory_space<vmem>>)
      tpu.yield
    }) : () -> ()
    %barrier3A = arith.constant 0 : index
    tpu.barrier barrier_id(%barrier3A)
    %mul3A_7 = arith.constant 80 : i32
    %mul3A_8 = arith.muli %add3A, %mul3A_7 : i32
    %add3A_9 = arith.constant 0 : i32
    %add3A_10 = arith.addi %mul3A_8, %add3A_9 : i32
    %add3A_11 = arith.constant 0 : i32
    %add3A_12 = arith.addi %add3A_10, %add3A_11 : i32
    %mul3A_13 = arith.constant 128 : i32
    %mul3A_14 = arith.muli %add3A_12, %mul3A_13 : i32
    %dma_start3A = arith.constant 0 : i32
    %dma_start3A_15 = tpu.memref_slice %arg2[%mul3A_14, %dma_start3A] : memref<327680x16xf32, #tpu.memory_space<hbm>> -> memref<1024x16xf32, #tpu.memory_space<hbm>>
    %dma_start3A_16 = arith.constant 0 : i32
    %dma_start3A_17 = tpu.memref_slice %arg2[%mul3A_14, %dma_start3A_16] : memref<327680x16xf32, #tpu.memory_space<hbm>> -> memref<1024x16xf32, #tpu.memory_space<hbm>>
    tpu.enqueue_dma source(%dma_start3A_17 : memref<1024x16xf32, #tpu.memory_space<hbm>>) target(%arg7 : memref<1024x16xf32, #tpu.memory_space<vmem>>) target_semaphore(%arg10 : memref<!tpu.dma_semaphore, #tpu.memory_space<semaphore_mem>>)
    %scan3A = arith.constant 0 : i32
    %scan3A_18 = arith.constant 0 : i32
    %scan3A_19 = arith.constant 5 : i32
    %scan3A_20 = arith.addi %scan3A_18, %scan3A_19 : i32
    %scan3A_21 = arith.constant 1 : i32
    scf.for %scan3A_33 = %scan3A_18 to %scan3A_20 step %scan3A_21  : i32 {
      %mul3A_34 = arith.constant 80 : i32
      %mul3A_35 = arith.muli %add3A, %mul3A_34 : i32
      %mul3A_36 = arith.constant 16 : i32
      %mul3A_37 = arith.muli %scan3A_33, %mul3A_36 : i32
      %add3A_38 = arith.addi %mul3A_35, %mul3A_37 : i32
      %add3A_39 = arith.constant 8 : i32
      %add3A_40 = arith.addi %add3A_38, %add3A_39 : i32
      %mul3A_41 = arith.constant 128 : i32
      %mul3A_42 = arith.muli %add3A_40, %mul3A_41 : i32
      %dma_start3A_43 = arith.constant 0 : i32
      %dma_start3A_44 = tpu.memref_slice %arg2[%mul3A_42, %dma_start3A_43] : memref<327680x16xf32, #tpu.memory_space<hbm>> -> memref<1024x16xf32, #tpu.memory_space<hbm>>
      %dma_start3A_45 = arith.constant 0 : i32
      %dma_start3A_46 = tpu.memref_slice %arg2[%mul3A_42, %dma_start3A_45] : memref<327680x16xf32, #tpu.memory_space<hbm>> -> memref<1024x16xf32, #tpu.memory_space<hbm>>
      tpu.enqueue_dma source(%dma_start3A_46 : memref<1024x16xf32, #tpu.memory_space<hbm>>) target(%arg8 : memref<1024x16xf32, #tpu.memory_space<vmem>>) target_semaphore(%arg11 : memref<!tpu.dma_semaphore, #tpu.memory_space<semaphore_mem>>)
      %dma_wait3A_47 = arith.constant 0 : i32
      %dma_wait3A_48 = arith.constant 0 : i32
      %dma_wait3A_49 = tpu.memref_slice %arg2[%dma_wait3A_47, %dma_wait3A_48] : memref<327680x16xf32, #tpu.memory_space<hbm>> -> memref<1024x16xf32, #tpu.memory_space<hbm>>
      %dma_wait3A_50 = arith.constant 0 : i32
      %dma_wait3A_51 = arith.constant 0 : i32
      %dma_wait3A_52 = tpu.memref_slice %arg2[%dma_wait3A_50, %dma_wait3A_51] : memref<327680x16xf32, #tpu.memory_space<hbm>> -> memref<1024x16xf32, #tpu.memory_space<hbm>>
      tpu.wait_dma2 semaphore(%arg10 : memref<!tpu.dma_semaphore, #tpu.memory_space<semaphore_mem>>) src(%dma_wait3A_52 : memref<1024x16xf32, #tpu.memory_space<hbm>>) dst(%arg7 : memref<1024x16xf32, #tpu.memory_space<vmem>>)
      %mul3A_53 = arith.constant 16 : i32
      %mul3A_54 = arith.muli %scan3A_33, %mul3A_53 : i32
      %add3A_55 = arith.constant 0 : i32
      %add3A_56 = arith.addi %mul3A_54, %add3A_55 : i32
      %add3A_57 = arith.constant 0 : i32
      %add3A_58 = arith.addi %add3A_56, %add3A_57 : i32
      "tpu.region"() ({
        %run_scoped3A = tpu.sem_alloc : memref<!tpu.dma_semaphore, #tpu.memory_space<semaphore_mem>>
        %dma_start3A_171 = arith.constant 0 : i32
        %dma_start3A_172 = arith.constant 0 : i32
        %dma_start3A_173 = tpu.memref_slice %arg7[%dma_start3A_171, %dma_start3A_172] : memref<1024x16xf32, #tpu.memory_space<vmem>> -> memref<128x16xf32, #tpu.memory_space<vmem>>
        %dma_start3A_174 = arith.constant 0 : i32
        %dma_start3A_175 = tpu.memref_slice %arg6[%add3A_58, %dma_start3A_174] : memref<80x128xi32, #tpu.memory_space<vmem>> -> memref<1x128xi32, #tpu.memory_space<vmem>>
        %dma_start3A_176 = tpu.memref_squeeze %dma_start3A_175 : memref<1x128xi32, #tpu.memory_space<vmem>> -> memref<128xi32, #tpu.memory_space<vmem>>
        %dma_start3A_177 = arith.constant 0 : i32
        %dma_start3A_178 = arith.constant 0 : i32
        %dma_start3A_179 = tpu.memref_slice %arg9[%dma_start3A_177, %dma_start3A_178] : memref<10112x16xf32, #tpu.memory_space<vmem_shared>> -> memref<10112x16xf32, #tpu.memory_space<vmem_shared>>
        tpu.enqueue_indirect_dma source(%dma_start3A_173 : memref<128x16xf32, #tpu.memory_space<vmem>>) target(%dma_start3A_179 : memref<10112x16xf32, #tpu.memory_space<vmem_shared>>) offsets(%dma_start3A_176 : memref<128xi32, #tpu.memory_space<vmem>>) semaphore(%run_scoped3A : memref<!tpu.dma_semaphore, #tpu.memory_space<semaphore_mem>>) {add = true}
        %dma_wait3A_180 = arith.constant 0 : i32
        %dma_wait3A_181 = arith.constant 0 : i32
        %dma_wait3A_182 = tpu.memref_slice %arg7[%dma_wait3A_180, %dma_wait3A_181] : memref<1024x16xf32, #tpu.memory_space<vmem>> -> memref<128x16xf32, #tpu.memory_space<vmem>>
        %dma_wait3A_183 = arith.constant 0 : i32
        %dma_wait3A_184 = tpu.memref_slice %arg6[%add3A_58, %dma_wait3A_183] : memref<80x128xi32, #tpu.memory_space<vmem>> -> memref<1x128xi32, #tpu.memory_space<vmem>>
        %dma_wait3A_185 = tpu.memref_squeeze %dma_wait3A_184 : memref<1x128xi32, #tpu.memory_space<vmem>> -> memref<128xi32, #tpu.memory_space<vmem>>
        %dma_wait3A_186 = arith.constant 0 : i32
        %dma_wait3A_187 = arith.constant 0 : i32
        %dma_wait3A_188 = tpu.memref_slice %arg9[%dma_wait3A_186, %dma_wait3A_187] : memref<10112x16xf32, #tpu.memory_space<vmem_shared>> -> memref<10112x16xf32, #tpu.memory_space<vmem_shared>>
        tpu.wait_indirect_dma semaphore(%run_scoped3A : memref<!tpu.dma_semaphore, #tpu.memory_space<semaphore_mem>>) src(%dma_wait3A_182 : memref<128x16xf32, #tpu.memory_space<vmem>>) dst(%dma_wait3A_188 : memref<10112x16xf32, #tpu.memory_space<vmem_shared>>)
        tpu.yield
      }) : () -> ()
      %mul3A_59 = arith.constant 16 : i32
      %mul3A_60 = arith.muli %scan3A_33, %mul3A_59 : i32
      %add3A_61 = arith.constant 0 : i32
      %add3A_62 = arith.addi %mul3A_60, %add3A_61 : i32
      %add3A_63 = arith.constant 1 : i32
      %add3A_64 = arith.addi %add3A_62, %add3A_63 : i32
      "tpu.region"() ({
        %run_scoped3A = tpu.sem_alloc : memref<!tpu.dma_semaphore, #tpu.memory_space<semaphore_mem>>
        %dma_start3A_171 = arith.constant 128 : i32
        %dma_start3A_172 = arith.constant 0 : i32
        %dma_start3A_173 = tpu.memref_slice %arg7[%dma_start3A_171, %dma_start3A_172] : memref<1024x16xf32, #tpu.memory_space<vmem>> -> memref<128x16xf32, #tpu.memory_space<vmem>>
        %dma_start3A_174 = arith.constant 0 : i32
        %dma_start3A_175 = tpu.memref_slice %arg6[%add3A_64, %dma_start3A_174] : memref<80x128xi32, #tpu.memory_space<vmem>> -> memref<1x128xi32, #tpu.memory_space<vmem>>
        %dma_start3A_176 = tpu.memref_squeeze %dma_start3A_175 : memref<1x128xi32, #tpu.memory_space<vmem>> -> memref<128xi32, #tpu.memory_space<vmem>>
        %dma_start3A_177 = arith.constant 0 : i32
        %dma_start3A_178 = arith.constant 0 : i32
        %dma_start3A_179 = tpu.memref_slice %arg9[%dma_start3A_177, %dma_start3A_178] : memref<10112x16xf32, #tpu.memory_space<vmem_shared>> -> memref<10112x16xf32, #tpu.memory_space<vmem_shared>>
        tpu.enqueue_indirect_dma source(%dma_start3A_173 : memref<128x16xf32, #tpu.memory_space<vmem>>) target(%dma_start3A_179 : memref<10112x16xf32, #tpu.memory_space<vmem_shared>>) offsets(%dma_start3A_176 : memref<128xi32, #tpu.memory_space<vmem>>) semaphore(%run_scoped3A : memref<!tpu.dma_semaphore, #tpu.memory_space<semaphore_mem>>) {add = true}
        %dma_wait3A_180 = arith.constant 128 : i32
        %dma_wait3A_181 = arith.constant 0 : i32
        %dma_wait3A_182 = tpu.memref_slice %arg7[%dma_wait3A_180, %dma_wait3A_181] : memref<1024x16xf32, #tpu.memory_space<vmem>> -> memref<128x16xf32, #tpu.memory_space<vmem>>
        %dma_wait3A_183 = arith.constant 0 : i32
        %dma_wait3A_184 = tpu.memref_slice %arg6[%add3A_64, %dma_wait3A_183] : memref<80x128xi32, #tpu.memory_space<vmem>> -> memref<1x128xi32, #tpu.memory_space<vmem>>
        %dma_wait3A_185 = tpu.memref_squeeze %dma_wait3A_184 : memref<1x128xi32, #tpu.memory_space<vmem>> -> memref<128xi32, #tpu.memory_space<vmem>>
        %dma_wait3A_186 = arith.constant 0 : i32
        %dma_wait3A_187 = arith.constant 0 : i32
        %dma_wait3A_188 = tpu.memref_slice %arg9[%dma_wait3A_186, %dma_wait3A_187] : memref<10112x16xf32, #tpu.memory_space<vmem_shared>> -> memref<10112x16xf32, #tpu.memory_space<vmem_shared>>
        tpu.wait_indirect_dma semaphore(%run_scoped3A : memref<!tpu.dma_semaphore, #tpu.memory_space<semaphore_mem>>) src(%dma_wait3A_182 : memref<128x16xf32, #tpu.memory_space<vmem>>) dst(%dma_wait3A_188 : memref<10112x16xf32, #tpu.memory_space<vmem_shared>>)
        tpu.yield
      }) : () -> ()
      %mul3A_65 = arith.constant 16 : i32
      %mul3A_66 = arith.muli %scan3A_33, %mul3A_65 : i32
      %add3A_67 = arith.constant 0 : i32
      %add3A_68 = arith.addi %mul3A_66, %add3A_67 : i32
      %add3A_69 = arith.constant 2 : i32
      %add3A_70 = arith.addi %add3A_68, %add3A_69 : i32
      "tpu.region"() ({
        %run_scoped3A = tpu.sem_alloc : memref<!tpu.dma_semaphore, #tpu.memory_space<semaphore_mem>>
        %dma_start3A_171 = arith.constant 256 : i32
        %dma_start3A_172 = arith.constant 0 : i32
        %dma_start3A_173 = tpu.memref_slice %arg7[%dma_start3A_171, %dma_start3A_172] : memref<1024x16xf32, #tpu.memory_space<vmem>> -> memref<128x16xf32, #tpu.memory_space<vmem>>
        %dma_start3A_174 = arith.constant 0 : i32
        %dma_start3A_175 = tpu.memref_slice %arg6[%add3A_70, %dma_start3A_174] : memref<80x128xi32, #tpu.memory_space<vmem>> -> memref<1x128xi32, #tpu.memory_space<vmem>>
        %dma_start3A_176 = tpu.memref_squeeze %dma_start3A_175 : memref<1x128xi32, #tpu.memory_space<vmem>> -> memref<128xi32, #tpu.memory_space<vmem>>
        %dma_start3A_177 = arith.constant 0 : i32
        %dma_start3A_178 = arith.constant 0 : i32
        %dma_start3A_179 = tpu.memref_slice %arg9[%dma_start3A_177, %dma_start3A_178] : memref<10112x16xf32, #tpu.memory_space<vmem_shared>> -> memref<10112x16xf32, #tpu.memory_space<vmem_shared>>
        tpu.enqueue_indirect_dma source(%dma_start3A_173 : memref<128x16xf32, #tpu.memory_space<vmem>>) target(%dma_start3A_179 : memref<10112x16xf32, #tpu.memory_space<vmem_shared>>) offsets(%dma_start3A_176 : memref<128xi32, #tpu.memory_space<vmem>>) semaphore(%run_scoped3A : memref<!tpu.dma_semaphore, #tpu.memory_space<semaphore_mem>>) {add = true}
        %dma_wait3A_180 = arith.constant 256 : i32
        %dma_wait3A_181 = arith.constant 0 : i32
        %dma_wait3A_182 = tpu.memref_slice %arg7[%dma_wait3A_180, %dma_wait3A_181] : memref<1024x16xf32, #tpu.memory_space<vmem>> -> memref<128x16xf32, #tpu.memory_space<vmem>>
        %dma_wait3A_183 = arith.constant 0 : i32
        %dma_wait3A_184 = tpu.memref_slice %arg6[%add3A_70, %dma_wait3A_183] : memref<80x128xi32, #tpu.memory_space<vmem>> -> memref<1x128xi32, #tpu.memory_space<vmem>>
        %dma_wait3A_185 = tpu.memref_squeeze %dma_wait3A_184 : memref<1x128xi32, #tpu.memory_space<vmem>> -> memref<128xi32, #tpu.memory_space<vmem>>
        %dma_wait3A_186 = arith.constant 0 : i32
        %dma_wait3A_187 = arith.constant 0 : i32
        %dma_wait3A_188 = tpu.memref_slice %arg9[%dma_wait3A_186, %dma_wait3A_187] : memref<10112x16xf32, #tpu.memory_space<vmem_shared>> -> memref<10112x16xf32, #tpu.memory_space<vmem_shared>>
        tpu.wait_indirect_dma semaphore(%run_scoped3A : memref<!tpu.dma_semaphore, #tpu.memory_space<semaphore_mem>>) src(%dma_wait3A_182 : memref<128x16xf32, #tpu.memory_space<vmem>>) dst(%dma_wait3A_188 : memref<10112x16xf32, #tpu.memory_space<vmem_shared>>)
        tpu.yield
      }) : () -> ()
      %mul3A_71 = arith.constant 16 : i32
      %mul3A_72 = arith.muli %scan3A_33, %mul3A_71 : i32
      %add3A_73 = arith.constant 0 : i32
      %add3A_74 = arith.addi %mul3A_72, %add3A_73 : i32
      %add3A_75 = arith.constant 3 : i32
      %add3A_76 = arith.addi %add3A_74, %add3A_75 : i32
      "tpu.region"() ({
        %run_scoped3A = tpu.sem_alloc : memref<!tpu.dma_semaphore, #tpu.memory_space<semaphore_mem>>
        %dma_start3A_171 = arith.constant 384 : i32
        %dma_start3A_172 = arith.constant 0 : i32
        %dma_start3A_173 = tpu.memref_slice %arg7[%dma_start3A_171, %dma_start3A_172] : memref<1024x16xf32, #tpu.memory_space<vmem>> -> memref<128x16xf32, #tpu.memory_space<vmem>>
        %dma_start3A_174 = arith.constant 0 : i32
        %dma_start3A_175 = tpu.memref_slice %arg6[%add3A_76, %dma_start3A_174] : memref<80x128xi32, #tpu.memory_space<vmem>> -> memref<1x128xi32, #tpu.memory_space<vmem>>
        %dma_start3A_176 = tpu.memref_squeeze %dma_start3A_175 : memref<1x128xi32, #tpu.memory_space<vmem>> -> memref<128xi32, #tpu.memory_space<vmem>>
        %dma_start3A_177 = arith.constant 0 : i32
        %dma_start3A_178 = arith.constant 0 : i32
        %dma_start3A_179 = tpu.memref_slice %arg9[%dma_start3A_177, %dma_start3A_178] : memref<10112x16xf32, #tpu.memory_space<vmem_shared>> -> memref<10112x16xf32, #tpu.memory_space<vmem_shared>>
        tpu.enqueue_indirect_dma source(%dma_start3A_173 : memref<128x16xf32, #tpu.memory_space<vmem>>) target(%dma_start3A_179 : memref<10112x16xf32, #tpu.memory_space<vmem_shared>>) offsets(%dma_start3A_176 : memref<128xi32, #tpu.memory_space<vmem>>) semaphore(%run_scoped3A : memref<!tpu.dma_semaphore, #tpu.memory_space<semaphore_mem>>) {add = true}
        %dma_wait3A_180 = arith.constant 384 : i32
        %dma_wait3A_181 = arith.constant 0 : i32
        %dma_wait3A_182 = tpu.memref_slice %arg7[%dma_wait3A_180, %dma_wait3A_181] : memref<1024x16xf32, #tpu.memory_space<vmem>> -> memref<128x16xf32, #tpu.memory_space<vmem>>
        %dma_wait3A_183 = arith.constant 0 : i32
        %dma_wait3A_184 = tpu.memref_slice %arg6[%add3A_76, %dma_wait3A_183] : memref<80x128xi32, #tpu.memory_space<vmem>> -> memref<1x128xi32, #tpu.memory_space<vmem>>
        %dma_wait3A_185 = tpu.memref_squeeze %dma_wait3A_184 : memref<1x128xi32, #tpu.memory_space<vmem>> -> memref<128xi32, #tpu.memory_space<vmem>>
        %dma_wait3A_186 = arith.constant 0 : i32
        %dma_wait3A_187 = arith.constant 0 : i32
        %dma_wait3A_188 = tpu.memref_slice %arg9[%dma_wait3A_186, %dma_wait3A_187] : memref<10112x16xf32, #tpu.memory_space<vmem_shared>> -> memref<10112x16xf32, #tpu.memory_space<vmem_shared>>
        tpu.wait_indirect_dma semaphore(%run_scoped3A : memref<!tpu.dma_semaphore, #tpu.memory_space<semaphore_mem>>) src(%dma_wait3A_182 : memref<128x16xf32, #tpu.memory_space<vmem>>) dst(%dma_wait3A_188 : memref<10112x16xf32, #tpu.memory_space<vmem_shared>>)
        tpu.yield
      }) : () -> ()
      %mul3A_77 = arith.constant 16 : i32
      %mul3A_78 = arith.muli %scan3A_33, %mul3A_77 : i32
      %add3A_79 = arith.constant 0 : i32
      %add3A_80 = arith.addi %mul3A_78, %add3A_79 : i32
      %add3A_81 = arith.constant 4 : i32
      %add3A_82 = arith.addi %add3A_80, %add3A_81 : i32
      "tpu.region"() ({
        %run_scoped3A = tpu.sem_alloc : memref<!tpu.dma_semaphore, #tpu.memory_space<semaphore_mem>>
        %dma_start3A_171 = arith.constant 512 : i32
        %dma_start3A_172 = arith.constant 0 : i32
        %dma_start3A_173 = tpu.memref_slice %arg7[%dma_start3A_171, %dma_start3A_172] : memref<1024x16xf32, #tpu.memory_space<vmem>> -> memref<128x16xf32, #tpu.memory_space<vmem>>
        %dma_start3A_174 = arith.constant 0 : i32
        %dma_start3A_175 = tpu.memref_slice %arg6[%add3A_82, %dma_start3A_174] : memref<80x128xi32, #tpu.memory_space<vmem>> -> memref<1x128xi32, #tpu.memory_space<vmem>>
        %dma_start3A_176 = tpu.memref_squeeze %dma_start3A_175 : memref<1x128xi32, #tpu.memory_space<vmem>> -> memref<128xi32, #tpu.memory_space<vmem>>
        %dma_start3A_177 = arith.constant 0 : i32
        %dma_start3A_178 = arith.constant 0 : i32
        %dma_start3A_179 = tpu.memref_slice %arg9[%dma_start3A_177, %dma_start3A_178] : memref<10112x16xf32, #tpu.memory_space<vmem_shared>> -> memref<10112x16xf32, #tpu.memory_space<vmem_shared>>
        tpu.enqueue_indirect_dma source(%dma_start3A_173 : memref<128x16xf32, #tpu.memory_space<vmem>>) target(%dma_start3A_179 : memref<10112x16xf32, #tpu.memory_space<vmem_shared>>) offsets(%dma_start3A_176 : memref<128xi32, #tpu.memory_space<vmem>>) semaphore(%run_scoped3A : memref<!tpu.dma_semaphore, #tpu.memory_space<semaphore_mem>>) {add = true}
        %dma_wait3A_180 = arith.constant 512 : i32
        %dma_wait3A_181 = arith.constant 0 : i32
        %dma_wait3A_182 = tpu.memref_slice %arg7[%dma_wait3A_180, %dma_wait3A_181] : memref<1024x16xf32, #tpu.memory_space<vmem>> -> memref<128x16xf32, #tpu.memory_space<vmem>>
        %dma_wait3A_183 = arith.constant 0 : i32
        %dma_wait3A_184 = tpu.memref_slice %arg6[%add3A_82, %dma_wait3A_183] : memref<80x128xi32, #tpu.memory_space<vmem>> -> memref<1x128xi32, #tpu.memory_space<vmem>>
        %dma_wait3A_185 = tpu.memref_squeeze %dma_wait3A_184 : memref<1x128xi32, #tpu.memory_space<vmem>> -> memref<128xi32, #tpu.memory_space<vmem>>
        %dma_wait3A_186 = arith.constant 0 : i32
        %dma_wait3A_187 = arith.constant 0 : i32
        %dma_wait3A_188 = tpu.memref_slice %arg9[%dma_wait3A_186, %dma_wait3A_187] : memref<10112x16xf32, #tpu.memory_space<vmem_shared>> -> memref<10112x16xf32, #tpu.memory_space<vmem_shared>>
        tpu.wait_indirect_dma semaphore(%run_scoped3A : memref<!tpu.dma_semaphore, #tpu.memory_space<semaphore_mem>>) src(%dma_wait3A_182 : memref<128x16xf32, #tpu.memory_space<vmem>>) dst(%dma_wait3A_188 : memref<10112x16xf32, #tpu.memory_space<vmem_shared>>)
        tpu.yield
      }) : () -> ()
      %mul3A_83 = arith.constant 16 : i32
      %mul3A_84 = arith.muli %scan3A_33, %mul3A_83 : i32
      %add3A_85 = arith.constant 0 : i32
      %add3A_86 = arith.addi %mul3A_84, %add3A_85 : i32
      %add3A_87 = arith.constant 5 : i32
      %add3A_88 = arith.addi %add3A_86, %add3A_87 : i32
      "tpu.region"() ({
        %run_scoped3A = tpu.sem_alloc : memref<!tpu.dma_semaphore, #tpu.memory_space<semaphore_mem>>
        %dma_start3A_171 = arith.constant 640 : i32
        %dma_start3A_172 = arith.constant 0 : i32
        %dma_start3A_173 = tpu.memref_slice %arg7[%dma_start3A_171, %dma_start3A_172] : memref<1024x16xf32, #tpu.memory_space<vmem>> -> memref<128x16xf32, #tpu.memory_space<vmem>>
        %dma_start3A_174 = arith.constant 0 : i32
        %dma_start3A_175 = tpu.memref_slice %arg6[%add3A_88, %dma_start3A_174] : memref<80x128xi32, #tpu.memory_space<vmem>> -> memref<1x128xi32, #tpu.memory_space<vmem>>
        %dma_start3A_176 = tpu.memref_squeeze %dma_start3A_175 : memref<1x128xi32, #tpu.memory_space<vmem>> -> memref<128xi32, #tpu.memory_space<vmem>>
        %dma_start3A_177 = arith.constant 0 : i32
        %dma_start3A_178 = arith.constant 0 : i32
        %dma_start3A_179 = tpu.memref_slice %arg9[%dma_start3A_177, %dma_start3A_178] : memref<10112x16xf32, #tpu.memory_space<vmem_shared>> -> memref<10112x16xf32, #tpu.memory_space<vmem_shared>>
        tpu.enqueue_indirect_dma source(%dma_start3A_173 : memref<128x16xf32, #tpu.memory_space<vmem>>) target(%dma_start3A_179 : memref<10112x16xf32, #tpu.memory_space<vmem_shared>>) offsets(%dma_start3A_176 : memref<128xi32, #tpu.memory_space<vmem>>) semaphore(%run_scoped3A : memref<!tpu.dma_semaphore, #tpu.memory_space<semaphore_mem>>) {add = true}
        %dma_wait3A_180 = arith.constant 640 : i32
        %dma_wait3A_181 = arith.constant 0 : i32
        %dma_wait3A_182 = tpu.memref_slice %arg7[%dma_wait3A_180, %dma_wait3A_181] : memref<1024x16xf32, #tpu.memory_space<vmem>> -> memref<128x16xf32, #tpu.memory_space<vmem>>
        %dma_wait3A_183 = arith.constant 0 : i32
        %dma_wait3A_184 = tpu.memref_slice %arg6[%add3A_88, %dma_wait3A_183] : memref<80x128xi32, #tpu.memory_space<vmem>> -> memref<1x128xi32, #tpu.memory_space<vmem>>
        %dma_wait3A_185 = tpu.memref_squeeze %dma_wait3A_184 : memref<1x128xi32, #tpu.memory_space<vmem>> -> memref<128xi32, #tpu.memory_space<vmem>>
        %dma_wait3A_186 = arith.constant 0 : i32
        %dma_wait3A_187 = arith.constant 0 : i32
        %dma_wait3A_188 = tpu.memref_slice %arg9[%dma_wait3A_186, %dma_wait3A_187] : memref<10112x16xf32, #tpu.memory_space<vmem_shared>> -> memref<10112x16xf32, #tpu.memory_space<vmem_shared>>
        tpu.wait_indirect_dma semaphore(%run_scoped3A : memref<!tpu.dma_semaphore, #tpu.memory_space<semaphore_mem>>) src(%dma_wait3A_182 : memref<128x16xf32, #tpu.memory_space<vmem>>) dst(%dma_wait3A_188 : memref<10112x16xf32, #tpu.memory_space<vmem_shared>>)
        tpu.yield
      }) : () -> ()
      %mul3A_89 = arith.constant 16 : i32
      %mul3A_90 = arith.muli %scan3A_33, %mul3A_89 : i32
      %add3A_91 = arith.constant 0 : i32
      %add3A_92 = arith.addi %mul3A_90, %add3A_91 : i32
      %add3A_93 = arith.constant 6 : i32
      %add3A_94 = arith.addi %add3A_92, %add3A_93 : i32
      "tpu.region"() ({
        %run_scoped3A = tpu.sem_alloc : memref<!tpu.dma_semaphore, #tpu.memory_space<semaphore_mem>>
        %dma_start3A_171 = arith.constant 768 : i32
        %dma_start3A_172 = arith.constant 0 : i32
        %dma_start3A_173 = tpu.memref_slice %arg7[%dma_start3A_171, %dma_start3A_172] : memref<1024x16xf32, #tpu.memory_space<vmem>> -> memref<128x16xf32, #tpu.memory_space<vmem>>
        %dma_start3A_174 = arith.constant 0 : i32
        %dma_start3A_175 = tpu.memref_slice %arg6[%add3A_94, %dma_start3A_174] : memref<80x128xi32, #tpu.memory_space<vmem>> -> memref<1x128xi32, #tpu.memory_space<vmem>>
        %dma_start3A_176 = tpu.memref_squeeze %dma_start3A_175 : memref<1x128xi32, #tpu.memory_space<vmem>> -> memref<128xi32, #tpu.memory_space<vmem>>
        %dma_start3A_177 = arith.constant 0 : i32
        %dma_start3A_178 = arith.constant 0 : i32
        %dma_start3A_179 = tpu.memref_slice %arg9[%dma_start3A_177, %dma_start3A_178] : memref<10112x16xf32, #tpu.memory_space<vmem_shared>> -> memref<10112x16xf32, #tpu.memory_space<vmem_shared>>
        tpu.enqueue_indirect_dma source(%dma_start3A_173 : memref<128x16xf32, #tpu.memory_space<vmem>>) target(%dma_start3A_179 : memref<10112x16xf32, #tpu.memory_space<vmem_shared>>) offsets(%dma_start3A_176 : memref<128xi32, #tpu.memory_space<vmem>>) semaphore(%run_scoped3A : memref<!tpu.dma_semaphore, #tpu.memory_space<semaphore_mem>>) {add = true}
        %dma_wait3A_180 = arith.constant 768 : i32
        %dma_wait3A_181 = arith.constant 0 : i32
        %dma_wait3A_182 = tpu.memref_slice %arg7[%dma_wait3A_180, %dma_wait3A_181] : memref<1024x16xf32, #tpu.memory_space<vmem>> -> memref<128x16xf32, #tpu.memory_space<vmem>>
        %dma_wait3A_183 = arith.constant 0 : i32
        %dma_wait3A_184 = tpu.memref_slice %arg6[%add3A_94, %dma_wait3A_183] : memref<80x128xi32, #tpu.memory_space<vmem>> -> memref<1x128xi32, #tpu.memory_space<vmem>>
        %dma_wait3A_185 = tpu.memref_squeeze %dma_wait3A_184 : memref<1x128xi32, #tpu.memory_space<vmem>> -> memref<128xi32, #tpu.memory_space<vmem>>
        %dma_wait3A_186 = arith.constant 0 : i32
        %dma_wait3A_187 = arith.constant 0 : i32
        %dma_wait3A_188 = tpu.memref_slice %arg9[%dma_wait3A_186, %dma_wait3A_187] : memref<10112x16xf32, #tpu.memory_space<vmem_shared>> -> memref<10112x16xf32, #tpu.memory_space<vmem_shared>>
        tpu.wait_indirect_dma semaphore(%run_scoped3A : memref<!tpu.dma_semaphore, #tpu.memory_space<semaphore_mem>>) src(%dma_wait3A_182 : memref<128x16xf32, #tpu.memory_space<vmem>>) dst(%dma_wait3A_188 : memref<10112x16xf32, #tpu.memory_space<vmem_shared>>)
        tpu.yield
      }) : () -> ()
      %mul3A_95 = arith.constant 16 : i32
      %mul3A_96 = arith.muli %scan3A_33, %mul3A_95 : i32
      %add3A_97 = arith.constant 0 : i32
      %add3A_98 = arith.addi %mul3A_96, %add3A_97 : i32
      %add3A_99 = arith.constant 7 : i32
      %add3A_100 = arith.addi %add3A_98, %add3A_99 : i32
      "tpu.region"() ({
        %run_scoped3A = tpu.sem_alloc : memref<!tpu.dma_semaphore, #tpu.memory_space<semaphore_mem>>
        %dma_start3A_171 = arith.constant 896 : i32
        %dma_start3A_172 = arith.constant 0 : i32
        %dma_start3A_173 = tpu.memref_slice %arg7[%dma_start3A_171, %dma_start3A_172] : memref<1024x16xf32, #tpu.memory_space<vmem>> -> memref<128x16xf32, #tpu.memory_space<vmem>>
        %dma_start3A_174 = arith.constant 0 : i32
        %dma_start3A_175 = tpu.memref_slice %arg6[%add3A_100, %dma_start3A_174] : memref<80x128xi32, #tpu.memory_space<vmem>> -> memref<1x128xi32, #tpu.memory_space<vmem>>
        %dma_start3A_176 = tpu.memref_squeeze %dma_start3A_175 : memref<1x128xi32, #tpu.memory_space<vmem>> -> memref<128xi32, #tpu.memory_space<vmem>>
        %dma_start3A_177 = arith.constant 0 : i32
        %dma_start3A_178 = arith.constant 0 : i32
        %dma_start3A_179 = tpu.memref_slice %arg9[%dma_start3A_177, %dma_start3A_178] : memref<10112x16xf32, #tpu.memory_space<vmem_shared>> -> memref<10112x16xf32, #tpu.memory_space<vmem_shared>>
        tpu.enqueue_indirect_dma source(%dma_start3A_173 : memref<128x16xf32, #tpu.memory_space<vmem>>) target(%dma_start3A_179 : memref<10112x16xf32, #tpu.memory_space<vmem_shared>>) offsets(%dma_start3A_176 : memref<128xi32, #tpu.memory_space<vmem>>) semaphore(%run_scoped3A : memref<!tpu.dma_semaphore, #tpu.memory_space<semaphore_mem>>) {add = true}
        %dma_wait3A_180 = arith.constant 896 : i32
        %dma_wait3A_181 = arith.constant 0 : i32
        %dma_wait3A_182 = tpu.memref_slice %arg7[%dma_wait3A_180, %dma_wait3A_181] : memref<1024x16xf32, #tpu.memory_space<vmem>> -> memref<128x16xf32, #tpu.memory_space<vmem>>
        %dma_wait3A_183 = arith.constant 0 : i32
        %dma_wait3A_184 = tpu.memref_slice %arg6[%add3A_100, %dma_wait3A_183] : memref<80x128xi32, #tpu.memory_space<vmem>> -> memref<1x128xi32, #tpu.memory_space<vmem>>
        %dma_wait3A_185 = tpu.memref_squeeze %dma_wait3A_184 : memref<1x128xi32, #tpu.memory_space<vmem>> -> memref<128xi32, #tpu.memory_space<vmem>>
        %dma_wait3A_186 = arith.constant 0 : i32
        %dma_wait3A_187 = arith.constant 0 : i32
        %dma_wait3A_188 = tpu.memref_slice %arg9[%dma_wait3A_186, %dma_wait3A_187] : memref<10112x16xf32, #tpu.memory_space<vmem_shared>> -> memref<10112x16xf32, #tpu.memory_space<vmem_shared>>
        tpu.wait_indirect_dma semaphore(%run_scoped3A : memref<!tpu.dma_semaphore, #tpu.memory_space<semaphore_mem>>) src(%dma_wait3A_182 : memref<128x16xf32, #tpu.memory_space<vmem>>) dst(%dma_wait3A_188 : memref<10112x16xf32, #tpu.memory_space<vmem_shared>>)
        tpu.yield
      }) : () -> ()
      %add3A_101 = arith.constant 1 : i32
      %add3A_102 = arith.addi %scan3A_33, %add3A_101 : i32
      %rem3A = arith.constant 5 : i32
      %rem3A_103 = arith.remsi %add3A_102, %rem3A : i32
      %mul3A_104 = arith.constant 80 : i32
      %mul3A_105 = arith.muli %add3A, %mul3A_104 : i32
      %mul3A_106 = arith.constant 16 : i32
      %mul3A_107 = arith.muli %rem3A_103, %mul3A_106 : i32
      %add3A_108 = arith.addi %mul3A_105, %mul3A_107 : i32
      %add3A_109 = arith.constant 0 : i32
      %add3A_110 = arith.addi %add3A_108, %add3A_109 : i32
      %mul3A_111 = arith.constant 128 : i32
      %mul3A_112 = arith.muli %add3A_110, %mul3A_111 : i32
      %dma_start3A_113 = arith.constant 0 : i32
      %dma_start3A_114 = tpu.memref_slice %arg2[%mul3A_112, %dma_start3A_113] : memref<327680x16xf32, #tpu.memory_space<hbm>> -> memref<1024x16xf32, #tpu.memory_space<hbm>>
      %dma_start3A_115 = arith.constant 0 : i32
      %dma_start3A_116 = tpu.memref_slice %arg2[%mul3A_112, %dma_start3A_115] : memref<327680x16xf32, #tpu.memory_space<hbm>> -> memref<1024x16xf32, #tpu.memory_space<hbm>>
      tpu.enqueue_dma source(%dma_start3A_116 : memref<1024x16xf32, #tpu.memory_space<hbm>>) target(%arg7 : memref<1024x16xf32, #tpu.memory_space<vmem>>) target_semaphore(%arg10 : memref<!tpu.dma_semaphore, #tpu.memory_space<semaphore_mem>>)
      %dma_wait3A_117 = arith.constant 0 : i32
      %dma_wait3A_118 = arith.constant 0 : i32
      %dma_wait3A_119 = tpu.memref_slice %arg2[%dma_wait3A_117, %dma_wait3A_118] : memref<327680x16xf32, #tpu.memory_space<hbm>> -> memref<1024x16xf32, #tpu.memory_space<hbm>>
      %dma_wait3A_120 = arith.constant 0 : i32
      %dma_wait3A_121 = arith.constant 0 : i32
      %dma_wait3A_122 = tpu.memref_slice %arg2[%dma_wait3A_120, %dma_wait3A_121] : memref<327680x16xf32, #tpu.memory_space<hbm>> -> memref<1024x16xf32, #tpu.memory_space<hbm>>
      tpu.wait_dma2 semaphore(%arg11 : memref<!tpu.dma_semaphore, #tpu.memory_space<semaphore_mem>>) src(%dma_wait3A_122 : memref<1024x16xf32, #tpu.memory_space<hbm>>) dst(%arg8 : memref<1024x16xf32, #tpu.memory_space<vmem>>)
      %mul3A_123 = arith.constant 16 : i32
      %mul3A_124 = arith.muli %scan3A_33, %mul3A_123 : i32
      %add3A_125 = arith.constant 8 : i32
      %add3A_126 = arith.addi %mul3A_124, %add3A_125 : i32
      %add3A_127 = arith.constant 0 : i32
      %add3A_128 = arith.addi %add3A_126, %add3A_127 : i32
      "tpu.region"() ({
        %run_scoped3A = tpu.sem_alloc : memref<!tpu.dma_semaphore, #tpu.memory_space<semaphore_mem>>
        %dma_start3A_171 = arith.constant 0 : i32
        %dma_start3A_172 = arith.constant 0 : i32
        %dma_start3A_173 = tpu.memref_slice %arg8[%dma_start3A_171, %dma_start3A_172] : memref<1024x16xf32, #tpu.memory_space<vmem>> -> memref<128x16xf32, #tpu.memory_space<vmem>>
        %dma_start3A_174 = arith.constant 0 : i32
        %dma_start3A_175 = tpu.memref_slice %arg6[%add3A_128, %dma_start3A_174] : memref<80x128xi32, #tpu.memory_space<vmem>> -> memref<1x128xi32, #tpu.memory_space<vmem>>
        %dma_start3A_176 = tpu.memref_squeeze %dma_start3A_175 : memref<1x128xi32, #tpu.memory_space<vmem>> -> memref<128xi32, #tpu.memory_space<vmem>>
        %dma_start3A_177 = arith.constant 0 : i32
        %dma_start3A_178 = arith.constant 0 : i32
        %dma_start3A_179 = tpu.memref_slice %arg9[%dma_start3A_177, %dma_start3A_178] : memref<10112x16xf32, #tpu.memory_space<vmem_shared>> -> memref<10112x16xf32, #tpu.memory_space<vmem_shared>>
        tpu.enqueue_indirect_dma source(%dma_start3A_173 : memref<128x16xf32, #tpu.memory_space<vmem>>) target(%dma_start3A_179 : memref<10112x16xf32, #tpu.memory_space<vmem_shared>>) offsets(%dma_start3A_176 : memref<128xi32, #tpu.memory_space<vmem>>) semaphore(%run_scoped3A : memref<!tpu.dma_semaphore, #tpu.memory_space<semaphore_mem>>) {add = true}
        %dma_wait3A_180 = arith.constant 0 : i32
        %dma_wait3A_181 = arith.constant 0 : i32
        %dma_wait3A_182 = tpu.memref_slice %arg8[%dma_wait3A_180, %dma_wait3A_181] : memref<1024x16xf32, #tpu.memory_space<vmem>> -> memref<128x16xf32, #tpu.memory_space<vmem>>
        %dma_wait3A_183 = arith.constant 0 : i32
        %dma_wait3A_184 = tpu.memref_slice %arg6[%add3A_128, %dma_wait3A_183] : memref<80x128xi32, #tpu.memory_space<vmem>> -> memref<1x128xi32, #tpu.memory_space<vmem>>
        %dma_wait3A_185 = tpu.memref_squeeze %dma_wait3A_184 : memref<1x128xi32, #tpu.memory_space<vmem>> -> memref<128xi32, #tpu.memory_space<vmem>>
        %dma_wait3A_186 = arith.constant 0 : i32
        %dma_wait3A_187 = arith.constant 0 : i32
        %dma_wait3A_188 = tpu.memref_slice %arg9[%dma_wait3A_186, %dma_wait3A_187] : memref<10112x16xf32, #tpu.memory_space<vmem_shared>> -> memref<10112x16xf32, #tpu.memory_space<vmem_shared>>
        tpu.wait_indirect_dma semaphore(%run_scoped3A : memref<!tpu.dma_semaphore, #tpu.memory_space<semaphore_mem>>) src(%dma_wait3A_182 : memref<128x16xf32, #tpu.memory_space<vmem>>) dst(%dma_wait3A_188 : memref<10112x16xf32, #tpu.memory_space<vmem_shared>>)
        tpu.yield
      }) : () -> ()
      %mul3A_129 = arith.constant 16 : i32
      %mul3A_130 = arith.muli %scan3A_33, %mul3A_129 : i32
      %add3A_131 = arith.constant 8 : i32
      %add3A_132 = arith.addi %mul3A_130, %add3A_131 : i32
      %add3A_133 = arith.constant 1 : i32
      %add3A_134 = arith.addi %add3A_132, %add3A_133 : i32
      "tpu.region"() ({
        %run_scoped3A = tpu.sem_alloc : memref<!tpu.dma_semaphore, #tpu.memory_space<semaphore_mem>>
        %dma_start3A_171 = arith.constant 128 : i32
        %dma_start3A_172 = arith.constant 0 : i32
        %dma_start3A_173 = tpu.memref_slice %arg8[%dma_start3A_171, %dma_start3A_172] : memref<1024x16xf32, #tpu.memory_space<vmem>> -> memref<128x16xf32, #tpu.memory_space<vmem>>
        %dma_start3A_174 = arith.constant 0 : i32
        %dma_start3A_175 = tpu.memref_slice %arg6[%add3A_134, %dma_start3A_174] : memref<80x128xi32, #tpu.memory_space<vmem>> -> memref<1x128xi32, #tpu.memory_space<vmem>>
        %dma_start3A_176 = tpu.memref_squeeze %dma_start3A_175 : memref<1x128xi32, #tpu.memory_space<vmem>> -> memref<128xi32, #tpu.memory_space<vmem>>
        %dma_start3A_177 = arith.constant 0 : i32
        %dma_start3A_178 = arith.constant 0 : i32
        %dma_start3A_179 = tpu.memref_slice %arg9[%dma_start3A_177, %dma_start3A_178] : memref<10112x16xf32, #tpu.memory_space<vmem_shared>> -> memref<10112x16xf32, #tpu.memory_space<vmem_shared>>
        tpu.enqueue_indirect_dma source(%dma_start3A_173 : memref<128x16xf32, #tpu.memory_space<vmem>>) target(%dma_start3A_179 : memref<10112x16xf32, #tpu.memory_space<vmem_shared>>) offsets(%dma_start3A_176 : memref<128xi32, #tpu.memory_space<vmem>>) semaphore(%run_scoped3A : memref<!tpu.dma_semaphore, #tpu.memory_space<semaphore_mem>>) {add = true}
        %dma_wait3A_180 = arith.constant 128 : i32
        %dma_wait3A_181 = arith.constant 0 : i32
        %dma_wait3A_182 = tpu.memref_slice %arg8[%dma_wait3A_180, %dma_wait3A_181] : memref<1024x16xf32, #tpu.memory_space<vmem>> -> memref<128x16xf32, #tpu.memory_space<vmem>>
        %dma_wait3A_183 = arith.constant 0 : i32
        %dma_wait3A_184 = tpu.memref_slice %arg6[%add3A_134, %dma_wait3A_183] : memref<80x128xi32, #tpu.memory_space<vmem>> -> memref<1x128xi32, #tpu.memory_space<vmem>>
        %dma_wait3A_185 = tpu.memref_squeeze %dma_wait3A_184 : memref<1x128xi32, #tpu.memory_space<vmem>> -> memref<128xi32, #tpu.memory_space<vmem>>
        %dma_wait3A_186 = arith.constant 0 : i32
        %dma_wait3A_187 = arith.constant 0 : i32
        %dma_wait3A_188 = tpu.memref_slice %arg9[%dma_wait3A_186, %dma_wait3A_187] : memref<10112x16xf32, #tpu.memory_space<vmem_shared>> -> memref<10112x16xf32, #tpu.memory_space<vmem_shared>>
        tpu.wait_indirect_dma semaphore(%run_scoped3A : memref<!tpu.dma_semaphore, #tpu.memory_space<semaphore_mem>>) src(%dma_wait3A_182 : memref<128x16xf32, #tpu.memory_space<vmem>>) dst(%dma_wait3A_188 : memref<10112x16xf32, #tpu.memory_space<vmem_shared>>)
        tpu.yield
      }) : () -> ()
      %mul3A_135 = arith.constant 16 : i32
      %mul3A_136 = arith.muli %scan3A_33, %mul3A_135 : i32
      %add3A_137 = arith.constant 8 : i32
      %add3A_138 = arith.addi %mul3A_136, %add3A_137 : i32
      %add3A_139 = arith.constant 2 : i32
      %add3A_140 = arith.addi %add3A_138, %add3A_139 : i32
      "tpu.region"() ({
        %run_scoped3A = tpu.sem_alloc : memref<!tpu.dma_semaphore, #tpu.memory_space<semaphore_mem>>
        %dma_start3A_171 = arith.constant 256 : i32
        %dma_start3A_172 = arith.constant 0 : i32
        %dma_start3A_173 = tpu.memref_slice %arg8[%dma_start3A_171, %dma_start3A_172] : memref<1024x16xf32, #tpu.memory_space<vmem>> -> memref<128x16xf32, #tpu.memory_space<vmem>>
        %dma_start3A_174 = arith.constant 0 : i32
        %dma_start3A_175 = tpu.memref_slice %arg6[%add3A_140, %dma_start3A_174] : memref<80x128xi32, #tpu.memory_space<vmem>> -> memref<1x128xi32, #tpu.memory_space<vmem>>
        %dma_start3A_176 = tpu.memref_squeeze %dma_start3A_175 : memref<1x128xi32, #tpu.memory_space<vmem>> -> memref<128xi32, #tpu.memory_space<vmem>>
        %dma_start3A_177 = arith.constant 0 : i32
        %dma_start3A_178 = arith.constant 0 : i32
        %dma_start3A_179 = tpu.memref_slice %arg9[%dma_start3A_177, %dma_start3A_178] : memref<10112x16xf32, #tpu.memory_space<vmem_shared>> -> memref<10112x16xf32, #tpu.memory_space<vmem_shared>>
        tpu.enqueue_indirect_dma source(%dma_start3A_173 : memref<128x16xf32, #tpu.memory_space<vmem>>) target(%dma_start3A_179 : memref<10112x16xf32, #tpu.memory_space<vmem_shared>>) offsets(%dma_start3A_176 : memref<128xi32, #tpu.memory_space<vmem>>) semaphore(%run_scoped3A : memref<!tpu.dma_semaphore, #tpu.memory_space<semaphore_mem>>) {add = true}
        %dma_wait3A_180 = arith.constant 256 : i32
        %dma_wait3A_181 = arith.constant 0 : i32
        %dma_wait3A_182 = tpu.memref_slice %arg8[%dma_wait3A_180, %dma_wait3A_181] : memref<1024x16xf32, #tpu.memory_space<vmem>> -> memref<128x16xf32, #tpu.memory_space<vmem>>
        %dma_wait3A_183 = arith.constant 0 : i32
        %dma_wait3A_184 = tpu.memref_slice %arg6[%add3A_140, %dma_wait3A_183] : memref<80x128xi32, #tpu.memory_space<vmem>> -> memref<1x128xi32, #tpu.memory_space<vmem>>
        %dma_wait3A_185 = tpu.memref_squeeze %dma_wait3A_184 : memref<1x128xi32, #tpu.memory_space<vmem>> -> memref<128xi32, #tpu.memory_space<vmem>>
        %dma_wait3A_186 = arith.constant 0 : i32
        %dma_wait3A_187 = arith.constant 0 : i32
        %dma_wait3A_188 = tpu.memref_slice %arg9[%dma_wait3A_186, %dma_wait3A_187] : memref<10112x16xf32, #tpu.memory_space<vmem_shared>> -> memref<10112x16xf32, #tpu.memory_space<vmem_shared>>
        tpu.wait_indirect_dma semaphore(%run_scoped3A : memref<!tpu.dma_semaphore, #tpu.memory_space<semaphore_mem>>) src(%dma_wait3A_182 : memref<128x16xf32, #tpu.memory_space<vmem>>) dst(%dma_wait3A_188 : memref<10112x16xf32, #tpu.memory_space<vmem_shared>>)
        tpu.yield
      }) : () -> ()
      %mul3A_141 = arith.constant 16 : i32
      %mul3A_142 = arith.muli %scan3A_33, %mul3A_141 : i32
      %add3A_143 = arith.constant 8 : i32
      %add3A_144 = arith.addi %mul3A_142, %add3A_143 : i32
      %add3A_145 = arith.constant 3 : i32
      %add3A_146 = arith.addi %add3A_144, %add3A_145 : i32
      "tpu.region"() ({
        %run_scoped3A = tpu.sem_alloc : memref<!tpu.dma_semaphore, #tpu.memory_space<semaphore_mem>>
        %dma_start3A_171 = arith.constant 384 : i32
        %dma_start3A_172 = arith.constant 0 : i32
        %dma_start3A_173 = tpu.memref_slice %arg8[%dma_start3A_171, %dma_start3A_172] : memref<1024x16xf32, #tpu.memory_space<vmem>> -> memref<128x16xf32, #tpu.memory_space<vmem>>
        %dma_start3A_174 = arith.constant 0 : i32
        %dma_start3A_175 = tpu.memref_slice %arg6[%add3A_146, %dma_start3A_174] : memref<80x128xi32, #tpu.memory_space<vmem>> -> memref<1x128xi32, #tpu.memory_space<vmem>>
        %dma_start3A_176 = tpu.memref_squeeze %dma_start3A_175 : memref<1x128xi32, #tpu.memory_space<vmem>> -> memref<128xi32, #tpu.memory_space<vmem>>
        %dma_start3A_177 = arith.constant 0 : i32
        %dma_start3A_178 = arith.constant 0 : i32
        %dma_start3A_179 = tpu.memref_slice %arg9[%dma_start3A_177, %dma_start3A_178] : memref<10112x16xf32, #tpu.memory_space<vmem_shared>> -> memref<10112x16xf32, #tpu.memory_space<vmem_shared>>
        tpu.enqueue_indirect_dma source(%dma_start3A_173 : memref<128x16xf32, #tpu.memory_space<vmem>>) target(%dma_start3A_179 : memref<10112x16xf32, #tpu.memory_space<vmem_shared>>) offsets(%dma_start3A_176 : memref<128xi32, #tpu.memory_space<vmem>>) semaphore(%run_scoped3A : memref<!tpu.dma_semaphore, #tpu.memory_space<semaphore_mem>>) {add = true}
        %dma_wait3A_180 = arith.constant 384 : i32
        %dma_wait3A_181 = arith.constant 0 : i32
        %dma_wait3A_182 = tpu.memref_slice %arg8[%dma_wait3A_180, %dma_wait3A_181] : memref<1024x16xf32, #tpu.memory_space<vmem>> -> memref<128x16xf32, #tpu.memory_space<vmem>>
        %dma_wait3A_183 = arith.constant 0 : i32
        %dma_wait3A_184 = tpu.memref_slice %arg6[%add3A_146, %dma_wait3A_183] : memref<80x128xi32, #tpu.memory_space<vmem>> -> memref<1x128xi32, #tpu.memory_space<vmem>>
        %dma_wait3A_185 = tpu.memref_squeeze %dma_wait3A_184 : memref<1x128xi32, #tpu.memory_space<vmem>> -> memref<128xi32, #tpu.memory_space<vmem>>
        %dma_wait3A_186 = arith.constant 0 : i32
        %dma_wait3A_187 = arith.constant 0 : i32
        %dma_wait3A_188 = tpu.memref_slice %arg9[%dma_wait3A_186, %dma_wait3A_187] : memref<10112x16xf32, #tpu.memory_space<vmem_shared>> -> memref<10112x16xf32, #tpu.memory_space<vmem_shared>>
        tpu.wait_indirect_dma semaphore(%run_scoped3A : memref<!tpu.dma_semaphore, #tpu.memory_space<semaphore_mem>>) src(%dma_wait3A_182 : memref<128x16xf32, #tpu.memory_space<vmem>>) dst(%dma_wait3A_188 : memref<10112x16xf32, #tpu.memory_space<vmem_shared>>)
        tpu.yield
      }) : () -> ()
      %mul3A_147 = arith.constant 16 : i32
      %mul3A_148 = arith.muli %scan3A_33, %mul3A_147 : i32
      %add3A_149 = arith.constant 8 : i32
      %add3A_150 = arith.addi %mul3A_148, %add3A_149 : i32
      %add3A_151 = arith.constant 4 : i32
      %add3A_152 = arith.addi %add3A_150, %add3A_151 : i32
      "tpu.region"() ({
        %run_scoped3A = tpu.sem_alloc : memref<!tpu.dma_semaphore, #tpu.memory_space<semaphore_mem>>
        %dma_start3A_171 = arith.constant 512 : i32
        %dma_start3A_172 = arith.constant 0 : i32
        %dma_start3A_173 = tpu.memref_slice %arg8[%dma_start3A_171, %dma_start3A_172] : memref<1024x16xf32, #tpu.memory_space<vmem>> -> memref<128x16xf32, #tpu.memory_space<vmem>>
        %dma_start3A_174 = arith.constant 0 : i32
        %dma_start3A_175 = tpu.memref_slice %arg6[%add3A_152, %dma_start3A_174] : memref<80x128xi32, #tpu.memory_space<vmem>> -> memref<1x128xi32, #tpu.memory_space<vmem>>
        %dma_start3A_176 = tpu.memref_squeeze %dma_start3A_175 : memref<1x128xi32, #tpu.memory_space<vmem>> -> memref<128xi32, #tpu.memory_space<vmem>>
        %dma_start3A_177 = arith.constant 0 : i32
        %dma_start3A_178 = arith.constant 0 : i32
        %dma_start3A_179 = tpu.memref_slice %arg9[%dma_start3A_177, %dma_start3A_178] : memref<10112x16xf32, #tpu.memory_space<vmem_shared>> -> memref<10112x16xf32, #tpu.memory_space<vmem_shared>>
        tpu.enqueue_indirect_dma source(%dma_start3A_173 : memref<128x16xf32, #tpu.memory_space<vmem>>) target(%dma_start3A_179 : memref<10112x16xf32, #tpu.memory_space<vmem_shared>>) offsets(%dma_start3A_176 : memref<128xi32, #tpu.memory_space<vmem>>) semaphore(%run_scoped3A : memref<!tpu.dma_semaphore, #tpu.memory_space<semaphore_mem>>) {add = true}
        %dma_wait3A_180 = arith.constant 512 : i32
        %dma_wait3A_181 = arith.constant 0 : i32
        %dma_wait3A_182 = tpu.memref_slice %arg8[%dma_wait3A_180, %dma_wait3A_181] : memref<1024x16xf32, #tpu.memory_space<vmem>> -> memref<128x16xf32, #tpu.memory_space<vmem>>
        %dma_wait3A_183 = arith.constant 0 : i32
        %dma_wait3A_184 = tpu.memref_slice %arg6[%add3A_152, %dma_wait3A_183] : memref<80x128xi32, #tpu.memory_space<vmem>> -> memref<1x128xi32, #tpu.memory_space<vmem>>
        %dma_wait3A_185 = tpu.memref_squeeze %dma_wait3A_184 : memref<1x128xi32, #tpu.memory_space<vmem>> -> memref<128xi32, #tpu.memory_space<vmem>>
        %dma_wait3A_186 = arith.constant 0 : i32
        %dma_wait3A_187 = arith.constant 0 : i32
        %dma_wait3A_188 = tpu.memref_slice %arg9[%dma_wait3A_186, %dma_wait3A_187] : memref<10112x16xf32, #tpu.memory_space<vmem_shared>> -> memref<10112x16xf32, #tpu.memory_space<vmem_shared>>
        tpu.wait_indirect_dma semaphore(%run_scoped3A : memref<!tpu.dma_semaphore, #tpu.memory_space<semaphore_mem>>) src(%dma_wait3A_182 : memref<128x16xf32, #tpu.memory_space<vmem>>) dst(%dma_wait3A_188 : memref<10112x16xf32, #tpu.memory_space<vmem_shared>>)
        tpu.yield
      }) : () -> ()
      %mul3A_153 = arith.constant 16 : i32
      %mul3A_154 = arith.muli %scan3A_33, %mul3A_153 : i32
      %add3A_155 = arith.constant 8 : i32
      %add3A_156 = arith.addi %mul3A_154, %add3A_155 : i32
      %add3A_157 = arith.constant 5 : i32
      %add3A_158 = arith.addi %add3A_156, %add3A_157 : i32
      "tpu.region"() ({
        %run_scoped3A = tpu.sem_alloc : memref<!tpu.dma_semaphore, #tpu.memory_space<semaphore_mem>>
        %dma_start3A_171 = arith.constant 640 : i32
        %dma_start3A_172 = arith.constant 0 : i32
        %dma_start3A_173 = tpu.memref_slice %arg8[%dma_start3A_171, %dma_start3A_172] : memref<1024x16xf32, #tpu.memory_space<vmem>> -> memref<128x16xf32, #tpu.memory_space<vmem>>
        %dma_start3A_174 = arith.constant 0 : i32
        %dma_start3A_175 = tpu.memref_slice %arg6[%add3A_158, %dma_start3A_174] : memref<80x128xi32, #tpu.memory_space<vmem>> -> memref<1x128xi32, #tpu.memory_space<vmem>>
        %dma_start3A_176 = tpu.memref_squeeze %dma_start3A_175 : memref<1x128xi32, #tpu.memory_space<vmem>> -> memref<128xi32, #tpu.memory_space<vmem>>
        %dma_start3A_177 = arith.constant 0 : i32
        %dma_start3A_178 = arith.constant 0 : i32
        %dma_start3A_179 = tpu.memref_slice %arg9[%dma_start3A_177, %dma_start3A_178] : memref<10112x16xf32, #tpu.memory_space<vmem_shared>> -> memref<10112x16xf32, #tpu.memory_space<vmem_shared>>
        tpu.enqueue_indirect_dma source(%dma_start3A_173 : memref<128x16xf32, #tpu.memory_space<vmem>>) target(%dma_start3A_179 : memref<10112x16xf32, #tpu.memory_space<vmem_shared>>) offsets(%dma_start3A_176 : memref<128xi32, #tpu.memory_space<vmem>>) semaphore(%run_scoped3A : memref<!tpu.dma_semaphore, #tpu.memory_space<semaphore_mem>>) {add = true}
        %dma_wait3A_180 = arith.constant 640 : i32
        %dma_wait3A_181 = arith.constant 0 : i32
        %dma_wait3A_182 = tpu.memref_slice %arg8[%dma_wait3A_180, %dma_wait3A_181] : memref<1024x16xf32, #tpu.memory_space<vmem>> -> memref<128x16xf32, #tpu.memory_space<vmem>>
        %dma_wait3A_183 = arith.constant 0 : i32
        %dma_wait3A_184 = tpu.memref_slice %arg6[%add3A_158, %dma_wait3A_183] : memref<80x128xi32, #tpu.memory_space<vmem>> -> memref<1x128xi32, #tpu.memory_space<vmem>>
        %dma_wait3A_185 = tpu.memref_squeeze %dma_wait3A_184 : memref<1x128xi32, #tpu.memory_space<vmem>> -> memref<128xi32, #tpu.memory_space<vmem>>
        %dma_wait3A_186 = arith.constant 0 : i32
        %dma_wait3A_187 = arith.constant 0 : i32
        %dma_wait3A_188 = tpu.memref_slice %arg9[%dma_wait3A_186, %dma_wait3A_187] : memref<10112x16xf32, #tpu.memory_space<vmem_shared>> -> memref<10112x16xf32, #tpu.memory_space<vmem_shared>>
        tpu.wait_indirect_dma semaphore(%run_scoped3A : memref<!tpu.dma_semaphore, #tpu.memory_space<semaphore_mem>>) src(%dma_wait3A_182 : memref<128x16xf32, #tpu.memory_space<vmem>>) dst(%dma_wait3A_188 : memref<10112x16xf32, #tpu.memory_space<vmem_shared>>)
        tpu.yield
      }) : () -> ()
      %mul3A_159 = arith.constant 16 : i32
      %mul3A_160 = arith.muli %scan3A_33, %mul3A_159 : i32
      %add3A_161 = arith.constant 8 : i32
      %add3A_162 = arith.addi %mul3A_160, %add3A_161 : i32
      %add3A_163 = arith.constant 6 : i32
      %add3A_164 = arith.addi %add3A_162, %add3A_163 : i32
      "tpu.region"() ({
        %run_scoped3A = tpu.sem_alloc : memref<!tpu.dma_semaphore, #tpu.memory_space<semaphore_mem>>
        %dma_start3A_171 = arith.constant 768 : i32
        %dma_start3A_172 = arith.constant 0 : i32
        %dma_start3A_173 = tpu.memref_slice %arg8[%dma_start3A_171, %dma_start3A_172] : memref<1024x16xf32, #tpu.memory_space<vmem>> -> memref<128x16xf32, #tpu.memory_space<vmem>>
        %dma_start3A_174 = arith.constant 0 : i32
        %dma_start3A_175 = tpu.memref_slice %arg6[%add3A_164, %dma_start3A_174] : memref<80x128xi32, #tpu.memory_space<vmem>> -> memref<1x128xi32, #tpu.memory_space<vmem>>
        %dma_start3A_176 = tpu.memref_squeeze %dma_start3A_175 : memref<1x128xi32, #tpu.memory_space<vmem>> -> memref<128xi32, #tpu.memory_space<vmem>>
        %dma_start3A_177 = arith.constant 0 : i32
        %dma_start3A_178 = arith.constant 0 : i32
        %dma_start3A_179 = tpu.memref_slice %arg9[%dma_start3A_177, %dma_start3A_178] : memref<10112x16xf32, #tpu.memory_space<vmem_shared>> -> memref<10112x16xf32, #tpu.memory_space<vmem_shared>>
        tpu.enqueue_indirect_dma source(%dma_start3A_173 : memref<128x16xf32, #tpu.memory_space<vmem>>) target(%dma_start3A_179 : memref<10112x16xf32, #tpu.memory_space<vmem_shared>>) offsets(%dma_start3A_176 : memref<128xi32, #tpu.memory_space<vmem>>) semaphore(%run_scoped3A : memref<!tpu.dma_semaphore, #tpu.memory_space<semaphore_mem>>) {add = true}
        %dma_wait3A_180 = arith.constant 768 : i32
        %dma_wait3A_181 = arith.constant 0 : i32
        %dma_wait3A_182 = tpu.memref_slice %arg8[%dma_wait3A_180, %dma_wait3A_181] : memref<1024x16xf32, #tpu.memory_space<vmem>> -> memref<128x16xf32, #tpu.memory_space<vmem>>
        %dma_wait3A_183 = arith.constant 0 : i32
        %dma_wait3A_184 = tpu.memref_slice %arg6[%add3A_164, %dma_wait3A_183] : memref<80x128xi32, #tpu.memory_space<vmem>> -> memref<1x128xi32, #tpu.memory_space<vmem>>
        %dma_wait3A_185 = tpu.memref_squeeze %dma_wait3A_184 : memref<1x128xi32, #tpu.memory_space<vmem>> -> memref<128xi32, #tpu.memory_space<vmem>>
        %dma_wait3A_186 = arith.constant 0 : i32
        %dma_wait3A_187 = arith.constant 0 : i32
        %dma_wait3A_188 = tpu.memref_slice %arg9[%dma_wait3A_186, %dma_wait3A_187] : memref<10112x16xf32, #tpu.memory_space<vmem_shared>> -> memref<10112x16xf32, #tpu.memory_space<vmem_shared>>
        tpu.wait_indirect_dma semaphore(%run_scoped3A : memref<!tpu.dma_semaphore, #tpu.memory_space<semaphore_mem>>) src(%dma_wait3A_182 : memref<128x16xf32, #tpu.memory_space<vmem>>) dst(%dma_wait3A_188 : memref<10112x16xf32, #tpu.memory_space<vmem_shared>>)
        tpu.yield
      }) : () -> ()
      %mul3A_165 = arith.constant 16 : i32
      %mul3A_166 = arith.muli %scan3A_33, %mul3A_165 : i32
      %add3A_167 = arith.constant 8 : i32
      %add3A_168 = arith.addi %mul3A_166, %add3A_167 : i32
      %add3A_169 = arith.constant 7 : i32
      %add3A_170 = arith.addi %add3A_168, %add3A_169 : i32
      "tpu.region"() ({
        %run_scoped3A = tpu.sem_alloc : memref<!tpu.dma_semaphore, #tpu.memory_space<semaphore_mem>>
        %dma_start3A_171 = arith.constant 896 : i32
        %dma_start3A_172 = arith.constant 0 : i32
        %dma_start3A_173 = tpu.memref_slice %arg8[%dma_start3A_171, %dma_start3A_172] : memref<1024x16xf32, #tpu.memory_space<vmem>> -> memref<128x16xf32, #tpu.memory_space<vmem>>
        %dma_start3A_174 = arith.constant 0 : i32
        %dma_start3A_175 = tpu.memref_slice %arg6[%add3A_170, %dma_start3A_174] : memref<80x128xi32, #tpu.memory_space<vmem>> -> memref<1x128xi32, #tpu.memory_space<vmem>>
        %dma_start3A_176 = tpu.memref_squeeze %dma_start3A_175 : memref<1x128xi32, #tpu.memory_space<vmem>> -> memref<128xi32, #tpu.memory_space<vmem>>
        %dma_start3A_177 = arith.constant 0 : i32
        %dma_start3A_178 = arith.constant 0 : i32
        %dma_start3A_179 = tpu.memref_slice %arg9[%dma_start3A_177, %dma_start3A_178] : memref<10112x16xf32, #tpu.memory_space<vmem_shared>> -> memref<10112x16xf32, #tpu.memory_space<vmem_shared>>
        tpu.enqueue_indirect_dma source(%dma_start3A_173 : memref<128x16xf32, #tpu.memory_space<vmem>>) target(%dma_start3A_179 : memref<10112x16xf32, #tpu.memory_space<vmem_shared>>) offsets(%dma_start3A_176 : memref<128xi32, #tpu.memory_space<vmem>>) semaphore(%run_scoped3A : memref<!tpu.dma_semaphore, #tpu.memory_space<semaphore_mem>>) {add = true}
        %dma_wait3A_180 = arith.constant 896 : i32
        %dma_wait3A_181 = arith.constant 0 : i32
        %dma_wait3A_182 = tpu.memref_slice %arg8[%dma_wait3A_180, %dma_wait3A_181] : memref<1024x16xf32, #tpu.memory_space<vmem>> -> memref<128x16xf32, #tpu.memory_space<vmem>>
        %dma_wait3A_183 = arith.constant 0 : i32
        %dma_wait3A_184 = tpu.memref_slice %arg6[%add3A_170, %dma_wait3A_183] : memref<80x128xi32, #tpu.memory_space<vmem>> -> memref<1x128xi32, #tpu.memory_space<vmem>>
        %dma_wait3A_185 = tpu.memref_squeeze %dma_wait3A_184 : memref<1x128xi32, #tpu.memory_space<vmem>> -> memref<128xi32, #tpu.memory_space<vmem>>
        %dma_wait3A_186 = arith.constant 0 : i32
        %dma_wait3A_187 = arith.constant 0 : i32
        %dma_wait3A_188 = tpu.memref_slice %arg9[%dma_wait3A_186, %dma_wait3A_187] : memref<10112x16xf32, #tpu.memory_space<vmem_shared>> -> memref<10112x16xf32, #tpu.memory_space<vmem_shared>>
        tpu.wait_indirect_dma semaphore(%run_scoped3A : memref<!tpu.dma_semaphore, #tpu.memory_space<semaphore_mem>>) src(%dma_wait3A_182 : memref<128x16xf32, #tpu.memory_space<vmem>>) dst(%dma_wait3A_188 : memref<10112x16xf32, #tpu.memory_space<vmem_shared>>)
        tpu.yield
      }) : () -> ()
    }
    %scan3A_22 = arith.constant 5 : i32
    %dma_wait3A = arith.constant 0 : i32
    %dma_wait3A_23 = arith.constant 0 : i32
    %dma_wait3A_24 = tpu.memref_slice %arg2[%dma_wait3A, %dma_wait3A_23] : memref<327680x16xf32, #tpu.memory_space<hbm>> -> memref<1024x16xf32, #tpu.memory_space<hbm>>
    %dma_wait3A_25 = arith.constant 0 : i32
    %dma_wait3A_26 = arith.constant 0 : i32
    %dma_wait3A_27 = tpu.memref_slice %arg2[%dma_wait3A_25, %dma_wait3A_26] : memref<327680x16xf32, #tpu.memory_space<hbm>> -> memref<1024x16xf32, #tpu.memory_space<hbm>>
    tpu.wait_dma2 semaphore(%arg10 : memref<!tpu.dma_semaphore, #tpu.memory_space<semaphore_mem>>) src(%dma_wait3A_27 : memref<1024x16xf32, #tpu.memory_space<hbm>>) dst(%arg7 : memref<1024x16xf32, #tpu.memory_space<vmem>>)
    %barrier3A_28 = arith.constant 0 : index
    tpu.barrier barrier_id(%barrier3A_28)
    %mul3A_29 = arith.constant 632 : i32
    %mul3A_30 = arith.muli %arg1, %mul3A_29 : i32
    %mul3A_31 = arith.constant 632 : i32
    %mul3A_32 = arith.muli %arg1, %mul3A_31 : i32
    "tpu.region"() ({
      %run_scoped3A = tpu.sem_alloc : memref<!tpu.dma_semaphore, #tpu.memory_space<semaphore_mem>>
      %dma_start3A_33 = arith.constant 0 : i32
      %dma_start3A_34 = arith.constant 0 : i32
      %dma_start3A_35 = tpu.memref_slice %arg5[%arg0, %dma_start3A_33, %dma_start3A_34] : memref<2x10112x16xf32, #tpu.memory_space<hbm>> -> memref<1x10112x16xf32, #tpu.memory_space<hbm>>
      %dma_start3A_36 = tpu.memref_squeeze %dma_start3A_35 : memref<1x10112x16xf32, #tpu.memory_space<hbm>> -> memref<10112x16xf32, #tpu.memory_space<hbm>>
      %dma_start3A_37 = arith.constant 0 : i32
      %dma_start3A_38 = tpu.memref_slice %dma_start3A_36[%mul3A_32, %dma_start3A_37] : memref<10112x16xf32, #tpu.memory_space<hbm>> -> memref<632x16xf32, #tpu.memory_space<hbm>>
      %dma_start3A_39 = arith.constant 0 : i32
      %dma_start3A_40 = tpu.memref_slice %arg9[%mul3A_30, %dma_start3A_39] : memref<10112x16xf32, #tpu.memory_space<vmem_shared>> -> memref<632x16xf32, #tpu.memory_space<vmem_shared>>
      tpu.enqueue_dma source(%dma_start3A_40 : memref<632x16xf32, #tpu.memory_space<vmem_shared>>) target(%dma_start3A_38 : memref<632x16xf32, #tpu.memory_space<hbm>>) target_semaphore(%run_scoped3A : memref<!tpu.dma_semaphore, #tpu.memory_space<semaphore_mem>>)
      %dma_wait3A_41 = arith.constant 0 : i32
      %dma_wait3A_42 = arith.constant 0 : i32
      %dma_wait3A_43 = tpu.memref_slice %arg5[%arg0, %dma_wait3A_41, %dma_wait3A_42] : memref<2x10112x16xf32, #tpu.memory_space<hbm>> -> memref<1x10112x16xf32, #tpu.memory_space<hbm>>
      %dma_wait3A_44 = tpu.memref_squeeze %dma_wait3A_43 : memref<1x10112x16xf32, #tpu.memory_space<hbm>> -> memref<10112x16xf32, #tpu.memory_space<hbm>>
      %dma_wait3A_45 = arith.constant 0 : i32
      %dma_wait3A_46 = tpu.memref_slice %dma_wait3A_44[%mul3A_32, %dma_wait3A_45] : memref<10112x16xf32, #tpu.memory_space<hbm>> -> memref<632x16xf32, #tpu.memory_space<hbm>>
      %dma_wait3A_47 = arith.constant 0 : i32
      %dma_wait3A_48 = tpu.memref_slice %arg9[%mul3A_30, %dma_wait3A_47] : memref<10112x16xf32, #tpu.memory_space<vmem_shared>> -> memref<632x16xf32, #tpu.memory_space<vmem_shared>>
      tpu.wait_dma2 semaphore(%run_scoped3A : memref<!tpu.dma_semaphore, #tpu.memory_space<semaphore_mem>>) src(%dma_wait3A_48 : memref<632x16xf32, #tpu.memory_space<vmem_shared>>) dst(%dma_wait3A_46 : memref<632x16xf32, #tpu.memory_space<hbm>>)
      tpu.yield
    }) : () -> ()
    return
  }
}

module attributes {stable_mosaic.version = 14 : i64} {
  func.func @_lin_in_body(%arg0: memref<10000x128xf32, #tpu.memory_space<vmem>>, %arg1: memref<128x16xf32, #tpu.memory_space<vmem>>, %arg2: memref<1x16xf32, #tpu.memory_space<vmem>>, %arg3: memref<10000x16xf32, #tpu.memory_space<vmem>>) attributes {dimension_semantics = [], scalar_prefetch = 0 : i64, scratch_operands = 0 : i64, tpu.core_type = #tpu.core_type<tc>} {
    %get3A = arith.constant 0 : index
    %get3A_0 = arith.constant 0 : index
    %get3A_1 = vector.load %arg0[%get3A, %get3A_0] : memref<10000x128xf32, #tpu.memory_space<vmem>>, vector<10000x128xf32>
    %get3A_2 = arith.constant 0 : index
    %get3A_3 = arith.constant 0 : index
    %get3A_4 = vector.load %arg1[%get3A_2, %get3A_3] : memref<128x16xf32, #tpu.memory_space<vmem>>, vector<128x16xf32>
    %dot_general3A = arith.constant dense<0.000000e+00> : vector<10000x16xf32>
    %dot_general3A_5 = tpu.matmul %get3A_1, %get3A_4, %dot_general3A {dimension_numbers = #tpu.dot_dimension_numbers<[1], [0], [0], [1], [0, 0, 1, 1], [], []>, transpose_lhs_hint = false} : vector<10000x128xf32>, vector<128x16xf32>, vector<10000x16xf32> -> vector<10000x16xf32>
    %get3A_6 = arith.constant 0 : index
    %get3A_7 = arith.constant 0 : index
    %get3A_8 = vector.load %arg2[%get3A_6, %get3A_7] : memref<1x16xf32, #tpu.memory_space<vmem>>, vector<1x16xf32>
    %add3A = vector.broadcast %get3A_8 : vector<1x16xf32> to vector<10000x16xf32>
    %add3A_9 = arith.addf %dot_general3A_5, %add3A : vector<10000x16xf32>
    %ge3A = arith.constant 0.000000e+00 : f32
    %ge3A_10 = vector.broadcast %ge3A : f32 to vector<10000x16xf32>
    %ge3A_11 = arith.cmpf oge, %add3A_9, %ge3A_10 : vector<10000x16xf32>
    %mul3A = arith.constant 0.00999999977 : f32
    %mul3A_12 = vector.broadcast %mul3A : f32 to vector<10000x16xf32>
    %mul3A_13 = arith.mulf %mul3A_12, %add3A_9 : vector<10000x16xf32>
    %select_n3A = arith.select %ge3A_11, %add3A_9, %mul3A_13 : vector<10000x16xi1>, vector<10000x16xf32>
    %swap3A = arith.constant 0 : index
    %swap3A_14 = arith.constant 0 : index
    %swap3A_15 = vector.load %arg3[%swap3A, %swap3A_14] : memref<10000x16xf32, #tpu.memory_space<vmem>>, vector<10000x16xf32>
    tpu.vector_store %arg3[%swap3A, %swap3A_14], %select_n3A {strides = array<i32>} : memref<10000x16xf32, #tpu.memory_space<vmem>>, vector<10000x16xf32>,
    return
  }
}

module attributes {stable_mosaic.version = 14 : i64} {
  func.func @_edge_msg_body(%arg0: i32, %arg1: memref<320x128xf32, #tpu.memory_space<vmem>>, %arg2: memref<320x128xf32, #tpu.memory_space<vmem>>, %arg3: memref<128x2048xf32, #tpu.memory_space<vmem>>, %arg4: memref<1x2048xf32, #tpu.memory_space<vmem>>, %arg5: memref<128x2048xf32, #tpu.memory_space<vmem>>, %arg6: memref<2048x128xf32, #tpu.memory_space<vmem>>, %arg7: memref<320x128xf32, #tpu.memory_space<vmem>>) attributes {dimension_semantics = [#tpu.dimension_semantics<arbitrary>], iteration_bounds = array<i64: 128>, scalar_prefetch = 0 : i64, scratch_operands = 0 : i64, tpu.core_type = #tpu.core_type<tc>, window_params = [{transform_indices = @transform_0, window_bounds = array<i64: 320, 128>}, {transform_indices = @transform_1, window_bounds = array<i64: 320, 128>}, {pipeline_mode = #tpu.pipeline_mode<synchronous>, transform_indices = @transform_2, window_bounds = array<i64: 128, 2048>}, {pipeline_mode = #tpu.pipeline_mode<synchronous>, transform_indices = @transform_3, window_bounds = array<i64: 1, 2048>}, {pipeline_mode = #tpu.pipeline_mode<synchronous>, transform_indices = @transform_4, window_bounds = array<i64: 128, 2048>}, {pipeline_mode = #tpu.pipeline_mode<synchronous>, transform_indices = @transform_5, window_bounds = array<i64: 2048, 128>}, {transform_indices = @transform_6, window_bounds = array<i64: 320, 128>}]} {
    %get3A = arith.constant 0 : index
    %get3A_0 = arith.constant 0 : index
    %get3A_1 = vector.load %arg2[%get3A, %get3A_0] : memref<320x128xf32, #tpu.memory_space<vmem>>, vector<320x128xf32>
    %get3A_2 = arith.constant 0 : index
    %get3A_3 = arith.constant 0 : index
    %get3A_4 = vector.load %arg3[%get3A_2, %get3A_3] : memref<128x2048xf32, #tpu.memory_space<vmem>>, vector<128x2048xf32>
    %dot_general3A = arith.constant dense<0.000000e+00> : vector<320x2048xf32>
    %dot_general3A_5 = tpu.matmul %get3A_1, %get3A_4, %dot_general3A {dimension_numbers = #tpu.dot_dimension_numbers<[1], [0], [0], [1], [0, 0, 1, 1], [], []>, transpose_lhs_hint = false} : vector<320x128xf32>, vector<128x2048xf32>, vector<320x2048xf32> -> vector<320x2048xf32>
    %get3A_6 = arith.constant 0 : index
    %get3A_7 = arith.constant 0 : index
    %get3A_8 = vector.load %arg4[%get3A_6, %get3A_7] : memref<1x2048xf32, #tpu.memory_space<vmem>>, vector<1x2048xf32>
    %add3A = vector.broadcast %get3A_8 : vector<1x2048xf32> to vector<320x2048xf32>
    %add3A_9 = arith.addf %dot_general3A_5, %add3A : vector<320x2048xf32>
    %ge3A = arith.constant 0.000000e+00 : f32
    %ge3A_10 = vector.broadcast %ge3A : f32 to vector<320x2048xf32>
    %ge3A_11 = arith.cmpf oge, %add3A_9, %ge3A_10 : vector<320x2048xf32>
    %mul3A = arith.constant 0.00999999977 : f32
    %mul3A_12 = vector.broadcast %mul3A : f32 to vector<320x2048xf32>
    %mul3A_13 = arith.mulf %mul3A_12, %add3A_9 : vector<320x2048xf32>
    %select_n3A = arith.select %ge3A_11, %add3A_9, %mul3A_13 : vector<320x2048xi1>, vector<320x2048xf32>
    %get3A_14 = arith.constant 0 : index
    %get3A_15 = arith.constant 0 : index
    %get3A_16 = vector.load %arg1[%get3A_14, %get3A_15] : memref<320x128xf32, #tpu.memory_space<vmem>>, vector<320x128xf32>
    %get3A_17 = arith.constant 0 : index
    %get3A_18 = arith.constant 0 : index
    %get3A_19 = vector.load %arg5[%get3A_17, %get3A_18] : memref<128x2048xf32, #tpu.memory_space<vmem>>, vector<128x2048xf32>
    %dot_general3A_20 = arith.constant dense<0.000000e+00> : vector<320x2048xf32>
    %dot_general3A_21 = tpu.matmul %get3A_16, %get3A_19, %dot_general3A_20 {dimension_numbers = #tpu.dot_dimension_numbers<[1], [0], [0], [1], [0, 0, 1, 1], [], []>, transpose_lhs_hint = false} : vector<320x128xf32>, vector<128x2048xf32>, vector<320x2048xf32> -> vector<320x2048xf32>
    %mul3A_22 = arith.mulf %dot_general3A_21, %select_n3A : vector<320x2048xf32>
    %get3A_23 = arith.constant 0 : index
    %get3A_24 = arith.constant 0 : index
    %get3A_25 = vector.load %arg6[%get3A_23, %get3A_24] : memref<2048x128xf32, #tpu.memory_space<vmem>>, vector<2048x128xf32>
    %dot_general3A_26 = arith.constant dense<0.000000e+00> : vector<320x128xf32>
    %dot_general3A_27 = tpu.matmul %mul3A_22, %get3A_25, %dot_general3A_26 {dimension_numbers = #tpu.dot_dimension_numbers<[1], [0], [0], [1], [0, 0, 1, 1], [], []>, transpose_lhs_hint = false} : vector<320x2048xf32>, vector<2048x128xf32>, vector<320x128xf32> -> vector<320x128xf32>
    %swap3A = arith.constant 0 : index
    %swap3A_28 = arith.constant 0 : index
    %swap3A_29 = vector.load %arg7[%swap3A, %swap3A_28] : memref<320x128xf32, #tpu.memory_space<vmem>>, vector<320x128xf32>
    tpu.vector_store %arg7[%swap3A, %swap3A_28], %dot_general3A_27 {strides = array<i32>} : memref<320x128xf32, #tpu.memory_space<vmem>>, vector<320x128xf32>,
    return
  }
  func.func @transform_0(%arg0: i32) -> (i32, i32) {
    %c0_i32 = arith.constant 0 : i32
    %c0_i32_0 = arith.constant 0 : i32
    return %arg0, %c0_i32 : i32, i32
  }
  func.func @transform_1(%arg0: i32) -> (i32, i32) {
    %min3A = arith.constant 124 : i32
    %min3A_0 = arith.minsi %arg0, %min3A : i32
    %c0_i32 = arith.constant 0 : i32
    %c0_i32_1 = arith.constant 0 : i32
    return %min3A_0, %c0_i32 : i32, i32
  }
  func.func @transform_2(%arg0: i32) -> (i32, i32) {
    %c0_i32 = arith.constant 0 : i32
    %c0_i32_0 = arith.constant 0 : i32
    %c0_i32_1 = arith.constant 0 : i32
    return %c0_i32, %c0_i32_0 : i32, i32
  }
  func.func @transform_3(%arg0: i32) -> (i32, i32) {
    %c0_i32 = arith.constant 0 : i32
    %c0_i32_0 = arith.constant 0 : i32
    %c0_i32_1 = arith.constant 0 : i32
    return %c0_i32, %c0_i32_0 : i32, i32
  }
  func.func @transform_4(%arg0: i32) -> (i32, i32) {
    %c0_i32 = arith.constant 0 : i32
    %c0_i32_0 = arith.constant 0 : i32
    %c0_i32_1 = arith.constant 0 : i32
    return %c0_i32, %c0_i32_0 : i32, i32
  }
  func.func @transform_5(%arg0: i32) -> (i32, i32) {
    %c0_i32 = arith.constant 0 : i32
    %c0_i32_0 = arith.constant 0 : i32
    %c0_i32_1 = arith.constant 0 : i32
    return %c0_i32, %c0_i32_0 : i32, i32
  }
  func.func @transform_6(%arg0: i32) -> (i32, i32) {
    %c0_i32 = arith.constant 0 : i32
    %c0_i32_0 = arith.constant 0 : i32
    return %arg0, %c0_i32 : i32, i32
  }
}

module attributes {stable_mosaic.version = 14 : i64} {
  func.func @_head_body(%arg0: memref<10000x16xf32, #tpu.memory_space<vmem>>, %arg1: memref<10000x16xf32, #tpu.memory_space<vmem>>, %arg2: memref<10000x16xf32, #tpu.memory_space<vmem>>, %arg3: memref<16x16xf32, #tpu.memory_space<vmem>>, %arg4: memref<1x16xf32, #tpu.memory_space<vmem>>, %arg5: memref<16x1xf32, #tpu.memory_space<vmem>>, %arg6: memref<1x1xf32, #tpu.memory_space<vmem>>, %arg7: memref<10000x2xf32, #tpu.memory_space<vmem>>) attributes {dimension_semantics = [], scalar_prefetch = 0 : i64, scratch_operands = 0 : i64, tpu.core_type = #tpu.core_type<tc>} {
    %get3A = arith.constant 0 : index
    %get3A_0 = arith.constant 0 : index
    %get3A_1 = vector.load %arg0[%get3A, %get3A_0] : memref<10000x16xf32, #tpu.memory_space<vmem>>, vector<10000x16xf32>
    %get3A_2 = arith.constant 0 : index
    %get3A_3 = arith.constant 0 : index
    %get3A_4 = vector.load %arg1[%get3A_2, %get3A_3] : memref<10000x16xf32, #tpu.memory_space<vmem>>, vector<10000x16xf32>
    %add3A = arith.addf %get3A_1, %get3A_4 : vector<10000x16xf32>
    %get3A_5 = arith.constant 0 : index
    %get3A_6 = arith.constant 0 : index
    %get3A_7 = vector.load %arg2[%get3A_5, %get3A_6] : memref<10000x16xf32, #tpu.memory_space<vmem>>, vector<10000x16xf32>
    %get3A_8 = arith.constant 0 : index
    %get3A_9 = arith.constant 0 : index
    %get3A_10 = vector.load %arg3[%get3A_8, %get3A_9] : memref<16x16xf32, #tpu.memory_space<vmem>>, vector<16x16xf32>
    %dot_general3A = arith.constant dense<0.000000e+00> : vector<10000x16xf32>
    %dot_general3A_11 = tpu.matmul %get3A_7, %get3A_10, %dot_general3A {dimension_numbers = #tpu.dot_dimension_numbers<[1], [0], [0], [1], [0, 0, 1, 1], [], []>, transpose_lhs_hint = false} : vector<10000x16xf32>, vector<16x16xf32>, vector<10000x16xf32> -> vector<10000x16xf32>
    %add3A_12 = arith.addf %add3A, %dot_general3A_11 : vector<10000x16xf32>
    %get3A_13 = arith.constant 0 : index
    %get3A_14 = arith.constant 0 : index
    %get3A_15 = vector.load %arg4[%get3A_13, %get3A_14] : memref<1x16xf32, #tpu.memory_space<vmem>>, vector<1x16xf32>
    %add3A_16 = vector.broadcast %get3A_15 : vector<1x16xf32> to vector<10000x16xf32>
    %add3A_17 = arith.addf %add3A_12, %add3A_16 : vector<10000x16xf32>
    %get3A_18 = arith.constant 0 : index
    %get3A_19 = arith.constant 0 : index
    %get3A_20 = vector.load %arg5[%get3A_18, %get3A_19] : memref<16x1xf32, #tpu.memory_space<vmem>>, vector<16x1xf32>
    %dot_general3A_21 = arith.constant dense<0.000000e+00> : vector<10000x1xf32>
    %dot_general3A_22 = tpu.matmul %add3A_17, %get3A_20, %dot_general3A_21 {dimension_numbers = #tpu.dot_dimension_numbers<[1], [0], [0], [1], [0, 0, 1, 1], [], []>, transpose_lhs_hint = false} : vector<10000x16xf32>, vector<16x1xf32>, vector<10000x1xf32> -> vector<10000x1xf32>
    %get3A_23 = arith.constant 0 : index
    %get3A_24 = arith.constant 0 : index
    %get3A_25 = vector.load %arg6[%get3A_23, %get3A_24] : memref<1x1xf32, #tpu.memory_space<vmem>>, vector<1x1xf32>
    %add3A_26 = vector.broadcast %get3A_25 : vector<1x1xf32> to vector<10000x1xf32>
    %add3A_27 = arith.addf %dot_general3A_22, %add3A_26 : vector<10000x1xf32>
    %max3A = arith.constant 0.000000e+00 : f32
    %max3A_28 = vector.broadcast %max3A : f32 to vector<10000x1xf32>
    %max3A_29 = arith.maximumf %add3A_27, %max3A_28 : vector<10000x1xf32>
    %abs3A = math.absf %add3A_27 : vector<10000x1xf32>
    %neg3A = arith.constant 0.000000e+00 : f32
    %neg3A_30 = vector.broadcast %neg3A : f32 to vector<10000x1xf32>
    %neg3A_31 = arith.subf %neg3A_30, %abs3A : vector<10000x1xf32>
    %exp3A = math.exp %neg3A_31 : vector<10000x1xf32>
    %add3A_32 = arith.constant 1.000000e+00 : f32
    %add3A_33 = vector.broadcast %add3A_32 : f32 to vector<10000x1xf32>
    %add3A_34 = arith.addf %add3A_33, %exp3A : vector<10000x1xf32>
    %log3A = math.log %add3A_34 : vector<10000x1xf32>
    %add3A_35 = arith.addf %max3A_29, %log3A : vector<10000x1xf32>
    %sub3A = arith.subf %add3A_27, %add3A_35 : vector<10000x1xf32>
    %neg3A_36 = arith.constant 0.000000e+00 : f32
    %neg3A_37 = vector.broadcast %neg3A_36 : f32 to vector<10000x1xf32>
    %neg3A_38 = arith.subf %neg3A_37, %add3A_35 : vector<10000x1xf32>
    %concatenate3A = tpu.concatenate %sub3A, %neg3A_38 in 1 : vector<10000x1xf32>, vector<10000x1xf32> -> vector<10000x2xf32>
    %swap3A = arith.constant 0 : index
    %swap3A_39 = arith.constant 0 : index
    %swap3A_40 = vector.load %arg7[%swap3A, %swap3A_39] : memref<10000x2xf32, #tpu.memory_space<vmem>>, vector<10000x2xf32>
    tpu.vector_store %arg7[%swap3A, %swap3A_39], %concatenate3A {strides = array<i32>} : memref<10000x2xf32, #tpu.memory_space<vmem>>, vector<10000x2xf32>,
    return
  }
}

</mosaic_0001>

<sc_bundles>
// kernel: kernel.10.cloned.1.call-start
scs
__scs_entry_jumppad:
0x0: {  	(pc) =	sbr.rel $0x88, $3  }
0x1: {  	(tag) =	ssettag $0x0;
	lr =	simm.s32 $0x1  }
0x2: {  	[smem:$0x3F96] =	sst lr;
	_ =	strace $0xD0000000  }
0x3: {  	_ = 	snop  }
0x4: {  	_ = 	snop  }
0x5: {  	_ = 	snop  }
0x6: {  	_ = 	snop  }
0x7: {  	_ = 	snop  }
__scs_overlays_trampoline_lowered:
0x8: {  	[smem:$0x3FA5] =	sst s0  }
0x9: {  	[smem:$0x3FA6] =	sst s1  }
0xa: {  	[smem:$0x3FA7] =	sst s2  }
0xb: {  	[smem:$0x3FA8] =	sst s3  }
0xc: {  	[smem:$0x3FA9] =	sst s4  }
0xd: {  	[smem:$0x3FAA] =	sst s5  }
0xe: {  	[smem:$0x3FAB] =	sst s6  }
0xf: {  	[smem:$0x3FAC] =	sst s7  }
0x10: {  	[smem:$0x3FAD] =	sst s8  }
0x11: {  	[smem:$0x3FAE] =	sst s9;
	s0 =	simm.s32 @!p0 $0x0  }
0x12: {  	s1 =	sld [smem:$0x3F94];
	s0 =	simm.s32 @p0 $0x1  }
0x13: {  	[smem:$0x3FAF] =	sst s0;
	s0 =	simm.s32 @!p1 $0x0  }
0x14: {  	s2 =	sld [smem:$0x3F93];
	s0 =	simm.s32 @p1 $0x1  }
0x15: {  	[smem:$0x3FB0] =	sst s0;
	s0 =	simm.s32 @!p2 $0x0  }
0x16: {  	s3 =	sld [smem:$0x3FDB];
	s0 =	simm.s32 @p2 $0x1  }
0x17: {  	s4 =	simm.s32 $0x1BF5;
	[smem:$0x3FB2] =	sst s0  }
0x18: {  	s0 =	sld [smem:$0x3F95];
	_ =	swait.ge [sflag:s4], $0x0  }
0x19: {  	s7 =	sld [smem:$0x3F96]  }
0x1a: {  	s8 =	sadd.s32 $0xFFFFE003, lr  }
0x1b: {  	s9 =	sadd.s32 $0xFFFFFEF7, lr;
	s5 =	simm.s32 $0xFFFFFFFF;
	p2 =	slt.u32 s8, $0xFFFFF086  }
0x1c: {  	p1 =	slt.u32 s9, $0xF7A;
	s5 =	simm.s32 @!p2 $0x0  }
0x1d: {  	s5 =	simm.s32 @p1 $0x1;
	p0 =	seq.s32 s7, s2  }
0x1e: {  	s7 =	smul.u32 @!p0 $0xF7A, s2;
	p2 =	seq.s32 @!p0 s5, $0x0  }
0x1f: {  	s9 =	smul.u32 $0xF7A, s1;
	s8 =	simm.s32 @!p0 $0x1BF5;
	p2 =	por !p2, p0  }
0x20: {  	[sflag:s8] =	ssyncset.s32 @!p0 $0xFFFFF086;
	s6 =	sadd.s32 @!p0 s3, s7;
	s7 =	simm.s32 @!p0 $0x108  }
0x21: {  	s3 =	sadd.s32 s3, s9;
	s6 =	sadd.s32 @!p0 $0x88, s6;
	s7 =	simm.s32 @p2 $0x1082  }
0x22: {  	[simem:s7], [sflag:s8] =	dma.local @!p0 [hbm:s6], $0xF7A  }
0x23: {  	s9 =	sor.u32 $0xD0000000, s2;
	s6 =	simm.s32 $0x108;
	_ =	swait.ge @!p0 [sflag:s8], $0x0  }
0x24: {  	s3 =	sadd.s32 $0x88, s3;
	s6 =	simm.s32 @!p1 $0x1082;
	[sflag:s4] =	ssyncset.s32 $0xFFFFF086  }
0x25: {  	[simem:s6], [sflag:s4] =	dma.local [hbm:s3], $0xF7A  }
0x26: {  	[smem:$0x3F96] =	sst s1;
	(tag) =	ssettag s2;
	_ =	strace s9  }
0x27: {  	s1 =	sld [smem:$0x3FA6]  }
0x28: {  	s2 =	sld [smem:$0x3FA7]  }
0x29: {  	s4 =	sld [smem:$0x3FA9]  }
0x2a: {  	p0 =	seq.s32 s5, $0x0;
	s5 =	sld [smem:$0x3FAA]  }
0x2b: {  	s6 =	sld [smem:$0x3FAB]  }
0x2c: {  	s7 =	sld [smem:$0x3FAC]  }
0x2d: {  	s3 =	simm.s32 $0x108;
	s8 =	sld [smem:$0x3FAD]  }
0x2e: {  	s3 =	simm.s32 @!p0 $0x1082;
	s9 =	sld [smem:$0x3FAE]  }
0x2f: {  	lr =	sadd.s32 s0, s3;
	s0 =	sld [smem:$0x3FA5]  }
0x30: {  	s3 =	sld [smem:$0x3FA8]  }
0x31: {  	[smem:$0x3FB1] =	sst s10  }
0x32: {  	s10 =	sld [smem:$0x3FAF];
	_ =	sdelay $0x3  }
0x33: {  	p0 =	seq.s32 s10, $0x1;
	s10 =	sld [smem:$0x3FB1];
	_ =	sdelay $0x3  }
0x34: {  	[smem:$0x3FB1] =	sst s10  }
0x35: {  	s10 =	sld [smem:$0x3FB0];
	_ =	sdelay $0x3  }
0x36: {  	p1 =	seq.s32 s10, $0x1;
	s10 =	sld [smem:$0x3FB1];
	_ =	sdelay $0x3  }
0x37: {  	[smem:$0x3FB1] =	sst s10  }
0x38: {  	s10 =	sld [smem:$0x3FB2]  }
0x39: {  	_ = 	snop;
	(pc) =	sbr.ind lr, $3  }
0x3a: {  	_ = 	snop  }
0x3b: {  	_ = 	snop  }
0x3c: {  	p2 =	seq.s32 s10, $0x1;
	s10 =	sld [smem:$0x3FB1]  }
0x3d: {  	_ =	shalt  }
0x3e: {  	_ =	shalt  }
0x3f: {  	_ =	shalt  }
0x40: {  	_ =	shalt  }
0x41: {  	_ =	shalt  }
0x42: {  	_ =	shalt  }
0x43: {  	_ =	shalt  }
0x44: {  	_ =	shalt  }
0x45: {  	_ =	shalt  }
0x46: {  	_ =	shalt  }
0x47: {  	_ =	shalt  }
0x48: {  	_ =	shalt  }
0x49: {  	_ =	shalt  }
0x4a: {  	_ =	shalt  }
0x4b: {  	_ =	shalt  }
0x4c: {  	_ =	shalt  }
0x4d: {  	_ =	shalt  }
0x4e: {  	_ =	shalt  }
0x4f: {  	_ =	shalt  }
0x50: {  	_ =	shalt  }
0x51: {  	_ =	shalt  }
0x52: {  	_ =	shalt  }
0x53: {  	_ =	shalt  }
0x54: {  	_ =	shalt  }
0x55: {  	_ =	shalt  }
0x56: {  	_ =	shalt  }
0x57: {  	_ =	shalt  }
0x58: {  	_ =	shalt  }
0x59: {  	_ =	shalt  }
0x5a: {  	_ =	shalt  }
0x5b: {  	_ =	shalt  }
0x5c: {  	_ =	shalt  }
0x5d: {  	_ =	shalt  }
0x5e: {  	_ =	shalt  }
0x5f: {  	_ =	shalt  }
0x60: {  	_ =	shalt  }
0x61: {  	_ =	shalt  }
0x62: {  	_ =	shalt  }
0x63: {  	_ =	shalt  }
0x64: {  	_ =	shalt  }
0x65: {  	_ =	shalt  }
0x66: {  	_ =	shalt  }
0x67: {  	_ =	shalt  }
0x68: {  	_ =	shalt  }
0x69: {  	_ =	shalt  }
0x6a: {  	_ =	shalt  }
0x6b: {  	_ =	shalt  }
0x6c: {  	_ =	shalt  }
0x6d: {  	_ =	shalt  }
0x6e: {  	_ =	shalt  }
0x6f: {  	_ =	shalt  }
0x70: {  	_ =	shalt  }
0x71: {  	_ =	shalt  }
0x72: {  	_ =	shalt  }
0x73: {  	_ =	shalt  }
0x74: {  	_ =	shalt  }
0x75: {  	_ =	shalt  }
0x76: {  	_ =	shalt  }
0x77: {  	_ =	shalt  }
0x78: {  	_ =	shalt  }
0x79: {  	_ =	shalt  }
0x7a: {  	_ =	shalt  }
0x7b: {  	_ =	shalt  }
0x7c: {  	_ =	shalt  }
0x7d: {  	_ =	shalt  }
0x7e: {  	_ =	shalt  }
0x7f: {  	_ =	shalt  }
0x80: {  	_ =	shalt  }
0x81: {  	_ =	shalt  }
0x82: {  	_ =	shalt  }
0x83: {  	_ =	shalt  }
0x84: {  	_ =	shalt  }
0x85: {  	_ =	shalt  }
0x86: {  	_ =	shalt  }
0x87: {  	_ =	shalt  }
.Lfunc_end0:
.L_simem_size_0:
called_computation.1_lowered:
.L_overlay_start_0:
0x88: {  	s2 =	sld [smem:$0x3FD9]  }
0x89: {  	s3 =	sld [smem:$0x3FFE];
	_ =	sdelay $0x1  }
0x8a: {  	s1 =	srdreg.scid  }
0x8b: {  	s0 =	sand.u32 $0x1, s1  }
0x8c: {  	s16 =	sshll.u32 s0, $0xA;
	s2 =	sadd.s32 s3, s2  }
0x8d: {  	s2 =	sadd.s32 s2, s16  }
0x8e: {  	[smem:$0x3FBD] =	sst s2  }
0x8f: {  	_ = 	snop  }
0x90: {  	(tm) =	ssettm $0x1  }
0x91: {  	s17 =	sld [smem:$0x3FFB];
	_ =	sdelay $0x3  }
0x92: {  	_ =	strace s17  }
0x93: {  	s2 =	sld [smem:$0x3FFC];
	_ =	sdelay $0x3  }
0x94: {  	_ =	strace s2  }
0x95: {  	s2 =	sld [smem:$0x3FFD];
	_ =	sdelay $0x3  }
0x96: {  	_ =	strace s2  }
0x97: {  	_ =	strace $0x8FFFFFFF  }
0x98: {  	s18 =	sld [smem:$0x3FDB];
	_ =	sdelay $0x1  }
0x99: {  	s19 =	simm.s32 $_scs_section_size  }
0x9a: {  	s4 =	simm.s32 $_size__tile_overlayer_lowered;
	s5 =	simm.s32 $_tile_overlayer_lowered  }
0x9b: {  	s22 =	simm.s32 $0x1BFF;
	s21 =	sshll.u32 s5, $0x1;
	s2 =	sadd.s32 s19, s18  }
0x9c: {  	s6 =	simm.s32 $0x0;
	s20 =	sshll.u32 s4, $0x1;
	s4 =	sadd.s32 s21, s2  }
0x9d: {  	[timem:s6], [sflag:s22] =	dma.local [hbm:s4], s20  }
0x9e: {  	_ =	swait.ge [sflag:s22], s20  }
0x9f: {  	s3 =	ssub.s32 $0x0, s20;
	[sflag:s22] =	ssyncset.done $0x0  }
0xa0: {  	[sflag:s22] =	ssyncadd.s32 s3;
	_ =	sdelay $0x1  }
0xa1: {  	s23 =	simm.s32 $0x1B8B  }
0xa2: {  	_ =	swait.ge [sflag:s23], $0x1  }
0xa3: {  	[sflag:s23] =	ssyncset.done $0x0  }
0xa4: {  	s25 =	simm.s32 $0x1B8E;
	s24 =	sld [smem:$0x3FFE];
	[sflag:s23] =	ssyncadd.s32 $0xFFFFFFFF  }
0xa5: {  	s26 =	simm.s32 $execute0_lowered;
	[smem:$0x3FD2] =	sst s25  }
0xa6: {  	s4 =	sshll.u32 s26, $0x1;
	_ =	strace $0x80000049;
	[dreg:$0x1] =	wrdreg $0xFFFFFFFF  }
0xa7: {  	s28 =	simm.s32 $_size_execute0_lowered;
	s2 =	sadd.s32 s2, s4;
	[dreg:$0x0] =	wrdreg $0x0  }
0xa8: {  	s4 =	sshll.u32 s28, $0x1;
	[dreg:$0x2] =	wrdreg s2  }
0xa9: {  	[dreg:$0x3] =	wrdreg s4  }
0xaa: {  	[dreg:$0x4] =	wrdreg $0xC0  }
0xab: {  	_ =	task [dreg:s6], $0x5FFFF  }
0xac: {  	[dreg:$0x1] =	wrdreg $0xFFFFFFFF  }
0xad: {  	[dreg:$0x0] =	wrdreg $0x60  }
0xae: {  	[dreg:$0x2] =	wrdreg s24  }
0xaf: {  	[dreg:$0x3] =	wrdreg $0xA8000  }
0xb0: {  	[dreg:$0x4] =	wrdreg $0x9  }
0xb1: {  	_ =	task.clear_ibuf [dreg:s6], $0x5FFFF;
	_ =	strace $0x90000049  }
0xb2: {  	s29 =	simm.s32 $0x9;
	_ =	strace $0x8000004B  }
0xb3: {  	_ =	swait.ge [sflag:s29], $0x1  }
0xb4: {  	[sflag:s29] =	ssyncadd.s32 $0xFFFFFFFF  }
0xb5: {  	_ =	strace $0x9000004B  }
0xb6: {  	_ =	sfence  }
0xb7: {  	s30 =	sld [smem:$0x0];
	_ =	sdelay $0x2  }
0xb8: {  	s31 =	sshll.u32 s1, $0xD;
	s1 =	sshrl.u32 s1, $0x2  }
0xb9: {  	s3 =	sand.u32 $0x4000, s31;
	s1 =	sadd.s32 s1, s30  }
0xba: {  	s0 =	sor.u32 s3, s0;
	s1 =	sshll.u32 s1, $0x11  }
0xbb: {  	s0 =	sor.u32 s1, s0  }
0xbc: {  	s0 =	sadd.s32 $0x8F2B, s0  }
0xbd: {  	[sflag:s0] =	ssyncadd.remote.s32 $0x1  }
0xbe: {  	_ =	sfence.sel $0xFFFF  }
0xbf: {  	[dreg:$0x0] =	wrdreg $0xFFFFFFFF;
	(pc) =	sbr.abs _section_cstart, $3  }
0xc0: {  	[dreg:$0x1] =	wrdreg $0xFFFFFFFF  }
0xc1: {  	_ =	task.clear_ibuf [dreg:s6], $0x2FFFF;
	_ =	strace $0x9FFFFFFF  }
0xc2: {  	(tm) =	ssettm $0x7FFFFFFF  }
0xc3: {  	_ =	shalt  }
tec
execute0_lowered:
.L_overlay_start_1:
0x0: {  	(tag) =	ssettag $0x1  }
0x1: {  	s5 =	rddreg [dreg:$0x0]  }
0x2: {  	s1 =	rddreg [dreg:$0x1]  }
0x3: {  	s2 =	srdreg.scid;
	s0 =	rddreg [dreg:$0x2];
	s3 =	simm.s32 $0x0  }
0x4: {  	s21 =	simm.s32 $0x3000;
	s23 =	simm.s32 $0x3800;
	[smem:$0x7FF] =	sst s3  }
0x5: {  	s24 =	simm.s32 $0x4000;
	_ =	strace $0x8000004A;
	[dreg:$0x4] =	wrdreg s21  }
0x6: {  	s25 =	simm.s32 $0x4800;
	s26 =	simm.s32 $0x5000;
	[dreg:$0x5] =	wrdreg s23  }
0x7: {  	s28 =	simm.s32 $0x5800;
	s29 =	simm.s32 $0x6000;
	[dreg:$0x6] =	wrdreg s24  }
0x8: {  	s30 =	simm.s32 $0x7000;
	s16 =	simm.s32 $0x7800;
	[dreg:$0x7] =	wrdreg s25  }
0x9: {  	s17 =	simm.s32 $0x8800;
	s31 =	simm.s32 $0xA000;
	[dreg:$0x8] =	wrdreg s26  }
0xa: {  	s10 =	sand.u32 $0x1, s2;
	s2 =	stileid.u32;
	[dreg:$0x9] =	wrdreg s28  }
0xb: {  	s4 =	sshll.u32 s10, $0x4;
	s7 =	smul.u32 $0x2780, s2;
	[dreg:$0xa] =	wrdreg s29  }
0xc: {  	s9 =	smul.u32 $0x4F00, s10;
	s11 =	ssub.s32 $0x2, s10;
	[dreg:$0xb] =	wrdreg s30  }
0xd: {  	s20 =	sshll.u32 s2, $0x6;
	s10 =	smul.u32 $0x50000, s10;
	[dreg:$0xc] =	wrdreg s16  }
0xe: {  	s22 =	smul.u32 $0x5000, s2;
	s16 =	simm.s32 $0x80;
	[dreg:$0xd] =	wrdreg s17  }
0xf: {  	s17 =	simm.s32 $0x2;
	s21 =	simm.s32 $0x9800;
	[dreg:$0x10] =	wrdreg s31  }
0x10: {  	s6 =	sor.u32 s2, s4;
	s4 =	sadd.s32 $0xE3600, s5;
	s13 =	sshrl.u32 s11, $0x1  }
0x11: {  	[dreg:$0xf] =	wrdreg s21;
	s8 =	smul.u32 $0x500, s6;
	s19 =	sshrl.u32 s7, $0x3  }
0x12: {  	s9 =	sadd.s32 s9, s5;
	s11 =	ssub.s32 s11, s13;
	s18 =	smul.u32 $0x5000, s6  }
0x13: {  	s14 =	sadd.s32 s7, s1;
	s15 =	smul.u32 $0x28000, s6;
	s6 =	sor.u32 $0x1C03, s20  }
0x14: {  	s10 =	sadd.s32 s10, s4;
	s13 =	simm.s32 $0x2800;
	s12 =	sadd.s32 s19, s5  }
0x15: {  	s20 =	sadd.s32 $0x2F600, s9;
	s9 =	smax.u32 s11, $0x1;
	s10 =	sadd.s32 s22, s10  }
0x16: {  	s11 =	sshrl.u32 s14, $0x3;
	s14 =	simm.s32 $0x6800;
	s8 =	sadd.s32 s8, s5  }
0x17: {  	s5 =	sadd.s32 $0x2A600, s12;
	[dreg:$0x3] =	wrdreg s15;
	s10 =	sadd.s32 $0x800, s10  }
0x18: {  	s12 =	simm.s32 $0x3;
	s15 =	simm.s32 $0x1;
	s19 =	sadd.s32 s19, s20  }
0x19: {  	s7 =	sadd.s32 $0x39600, s8;
	s8 =	sadd.s32 s4, s18;
	s18 =	simm.s32 $0x9000  }
0x1a: {  	s20 =	simm.s32 $0x0;
	[dreg:$0xe] =	wrdreg s18;
	s18 =	simm.s32 $0x8000  }
.LBB2_1:
0x1b: {  	[spmem:s11], [sflag:s6] =	dma.local [hbm:s5], $0x4F0  }
0x1c: {  	_ =	swait.ge [sflag:s12], $0x4F0  }
0x1d: {  	[sflag:s12] =	ssyncset.done $0x0  }
0x1e: {  	[sflag:s12] =	ssyncadd.s32 $0xFFFFFB10  }
0x1f: {  	[tilespmem:s3], [sflag:$0x3] =	stream.linear.gather [hbm4b:s7+s3], $0x2800, $0x38;
	[tilespmem:$0xCF80] =	vst v63  }
0x20: {  	_ =	swait.ge [sflag:s12], $0x2800  }
0x21: {  	[sflag:s12] =	ssyncset.done $0x0  }
0x22: {  	[sflag:s12] =	ssyncadd.s32 $0xFFFFD800  }
0x23: {  	[bflag:$0x0] =	sbarrier.arrive $0xFFFF  }
0x24: {  	[tilespmem:s13], [sflag:$0x1] =	stream.linear.gather [hbm4b:s8+s3], $0x4000, $0x38;
	[tilespmem:$0xCF80] =	vst v63  }
0x25: {  	_ = 	snop  }
0x26: {  	[tilespmem:s14], [sflag:$0x2] =	stream.linear.gather [hbm4b:s10+s3], $0x4000, $0x38;
	[tilespmem:$0xCF80] =	vst v63  }
0x27: {  	_ =	swait.ge [sflag:s15], $0x4000  }
0x28: {  	[sflag:s15] =	ssyncset.done $0x0  }
0x29: {  	s21 =	simm.s32 $0x0;
	[sflag:s15] =	ssyncadd.s32 $0xFFFFC000  }
0x2a: {  	[spmem:s1] =	stream.indirect.scatter.add.f32 [tilespmem:s13], [sflag:$0x3], $0x10, s21, s16, $0xb8;
	[tilespmem:$0xCF80] =	vst v63  }
0x2b: {  	_ =	swait.ge [sflag:s12], $0x800  }
0x2c: {  	[sflag:s12] =	ssyncset.done $0x0  }
0x2d: {  	s22 =	simm.s32 $0x80;
	s29 =	rddreg [dreg:$0x4];
	[sflag:s12] =	ssyncadd.s32 $0xFFFFF800  }
0x2e: {  	[spmem:s1] =	stream.indirect.scatter.add.f32 [tilespmem:s29], [sflag:$0x3], $0x10, s22, s16, $0xb8;
	[tilespmem:$0xCF80] =	vst v63  }
0x2f: {  	_ =	swait.ge [sflag:s12], $0x800  }
0x30: {  	[sflag:s12] =	ssyncset.done $0x0  }
0x31: {  	s31 =	simm.s32 $0x100;
	s30 =	rddreg [dreg:$0x5];
	[sflag:s12] =	ssyncadd.s32 $0xFFFFF800  }
0x32: {  	[spmem:s1] =	stream.indirect.scatter.add.f32 [tilespmem:s30], [sflag:$0x3], $0x10, s31, s16, $0xb8;
	[tilespmem:$0xCF80] =	vst v63  }
0x33: {  	_ =	swait.ge [sflag:s12], $0x800  }
0x34: {  	[sflag:s12] =	ssyncset.done $0x0  }
0x35: {  	s24 =	simm.s32 $0x180;
	s23 =	rddreg [dreg:$0x6];
	[sflag:s12] =	ssyncadd.s32 $0xFFFFF800  }
0x36: {  	[spmem:s1] =	stream.indirect.scatter.add.f32 [tilespmem:s23], [sflag:$0x3], $0x10, s24, s16, $0xb8;
	[tilespmem:$0xCF80] =	vst v63  }
0x37: {  	_ =	swait.ge [sflag:s12], $0x800  }
0x38: {  	[sflag:s12] =	ssyncset.done $0x0  }
0x39: {  	s26 =	simm.s32 $0x200;
	s25 =	rddreg [dreg:$0x7];
	[sflag:s12] =	ssyncadd.s32 $0xFFFFF800  }
0x3a: {  	[spmem:s1] =	stream.indirect.scatter.add.f32 [tilespmem:s25], [sflag:$0x3], $0x10, s26, s16, $0xb8;
	[tilespmem:$0xCF80] =	vst v63  }
0x3b: {  	_ =	swait.ge [sflag:s12], $0x800  }
0x3c: {  	[sflag:s12] =	ssyncset.done $0x0  }
0x3d: {  	s29 =	simm.s32 $0x280;
	s28 =	rddreg [dreg:$0x8];
	[sflag:s12] =	ssyncadd.s32 $0xFFFFF800  }
0x3e: {  	[spmem:s1] =	stream.indirect.scatter.add.f32 [tilespmem:s28], [sflag:$0x3], $0x10, s29, s16, $0xb8;
	[tilespmem:$0xCF80] =	vst v63  }
0x3f: {  	_ =	swait.ge [sflag:s12], $0x800  }
0x40: {  	[sflag:s12] =	ssyncset.done $0x0  }
0x41: {  	s31 =	simm.s32 $0x300;
	s30 =	rddreg [dreg:$0x9];
	[sflag:s12] =	ssyncadd.s32 $0xFFFFF800  }
0x42: {  	[spmem:s1] =	stream.indirect.scatter.add.f32 [tilespmem:s30], [sflag:$0x3], $0x10, s31, s16, $0xb8;
	[tilespmem:$0xCF80] =	vst v63  }
0x43: {  	_ =	swait.ge [sflag:s12], $0x800  }
0x44: {  	[sflag:s12] =	ssyncset.done $0x0  }
0x45: {  	s24 =	simm.s32 $0x380;
	s23 =	rddreg [dreg:$0xa];
	[sflag:s12] =	ssyncadd.s32 $0xFFFFF800  }
0x46: {  	[spmem:s1] =	stream.indirect.scatter.add.f32 [tilespmem:s23], [sflag:$0x3], $0x10, s24, s16, $0xb8;
	[tilespmem:$0xCF80] =	vst v63  }
0x47: {  	p0 =	por $0x0, $0x0;
	s22 =	simm.s32 $0x8000;
	_ =	swait.ge [sflag:s12], $0x800  }
0x48: {  	s22 =	simm.s32 @p0 $0x4;
	s25 =	rddreg [dreg:$0x3]  }
0x49: {  	s21 =	sadd.s32 s25, s22  }
0x4a: {  	[sflag:s12] =	ssyncset.done $0x0;
	s21 =	sshrl.u32 s21, $0x3  }
0x4b: {  	[sflag:s12] =	ssyncadd.s32 $0xFFFFF800;
	s21 =	sadd.s32 s4, s21  }
0x4c: {  	[tilespmem:s13], [sflag:$0x1] =	stream.linear.gather [hbm4b:s21+s3], $0x4000, $0x38;
	[tilespmem:$0xCF80] =	vst v63  }
0x4d: {  	_ =	swait.ge [sflag:s17], $0x4000  }
0x4e: {  	[sflag:s17] =	ssyncset.done $0x0  }
0x4f: {  	s26 =	simm.s32 $0x400;
	[sflag:s17] =	ssyncadd.s32 $0xFFFFC000  }
0x50: {  	[spmem:s1] =	stream.indirect.scatter.add.f32 [tilespmem:s14], [sflag:$0x3], $0x10, s26, s16, $0xb8;
	[tilespmem:$0xCF80] =	vst v63  }
0x51: {  	_ =	swait.ge [sflag:s12], $0x800  }
0x52: {  	[sflag:s12] =	ssyncset.done $0x0  }
0x53: {  	s29 =	simm.s32 $0x480;
	s28 =	rddreg [dreg:$0xb];
	[sflag:s12] =	ssyncadd.s32 $0xFFFFF800  }
0x54: {  	[spmem:s1] =	stream.indirect.scatter.add.f32 [tilespmem:s28], [sflag:$0x3], $0x10, s29, s16, $0xb8;
	[tilespmem:$0xCF80] =	vst v63  }
0x55: {  	_ =	swait.ge [sflag:s12], $0x800  }
0x56: {  	[sflag:s12] =	ssyncset.done $0x0  }
0x57: {  	s31 =	simm.s32 $0x500;
	s30 =	rddreg [dreg:$0xc];
	[sflag:s12] =	ssyncadd.s32 $0xFFFFF800  }
0x58: {  	[spmem:s1] =	stream.indirect.scatter.add.f32 [tilespmem:s30], [sflag:$0x3], $0x10, s31, s16, $0xb8;
	[tilespmem:$0xCF80] =	vst v63  }
0x59: {  	_ =	swait.ge [sflag:s12], $0x800  }
0x5a: {  	[sflag:s12] =	ssyncset.done $0x0  }
0x5b: {  	s22 =	simm.s32 $0x580;
	[sflag:s12] =	ssyncadd.s32 $0xFFFFF800  }
0x5c: {  	[spmem:s1] =	stream.indirect.scatter.add.f32 [tilespmem:s18], [sflag:$0x3], $0x10, s22, s16, $0xb8;
	[tilespmem:$0xCF80] =	vst v63  }
0x5d: {  	_ =	swait.ge [sflag:s12], $0x800  }
0x5e: {  	[sflag:s12] =	ssyncset.done $0x0  }
0x5f: {  	s24 =	simm.s32 $0x600;
	s23 =	rddreg [dreg:$0xd];
	[sflag:s12] =	ssyncadd.s32 $0xFFFFF800  }
0x60: {  	[spmem:s1] =	stream.indirect.scatter.add.f32 [tilespmem:s23], [sflag:$0x3], $0x10, s24, s16, $0xb8;
	[tilespmem:$0xCF80] =	vst v63  }
0x61: {  	_ =	swait.ge [sflag:s12], $0x800  }
0x62: {  	[sflag:s12] =	ssyncset.done $0x0  }
0x63: {  	s26 =	simm.s32 $0x680;
	s25 =	rddreg [dreg:$0xe];
	[sflag:s12] =	ssyncadd.s32 $0xFFFFF800  }
0x64: {  	[spmem:s1] =	stream.indirect.scatter.add.f32 [tilespmem:s25], [sflag:$0x3], $0x10, s26, s16, $0xb8;
	[tilespmem:$0xCF80] =	vst v63  }
0x65: {  	_ =	swait.ge [sflag:s12], $0x800  }
0x66: {  	[sflag:s12] =	ssyncset.done $0x0  }
0x67: {  	s29 =	simm.s32 $0x700;
	s28 =	rddreg [dreg:$0xf];
	[sflag:s12] =	ssyncadd.s32 $0xFFFFF800  }
0x68: {  	[spmem:s1] =	stream.indirect.scatter.add.f32 [tilespmem:s28], [sflag:$0x3], $0x10, s29, s16, $0xb8;
	[tilespmem:$0xCF80] =	vst v63  }
0x69: {  	_ =	swait.ge [sflag:s12], $0x800  }
0x6a: {  	[sflag:s12] =	ssyncset.done $0x0  }
0x6b: {  	s31 =	simm.s32 $0x780;
	s30 =	rddreg [dreg:$0x10];
	[sflag:s12] =	ssyncadd.s32 $0xFFFFF800  }
0x6c: {  	[spmem:s1] =	stream.indirect.scatter.add.f32 [tilespmem:s30], [sflag:$0x3], $0x10, s31, s16, $0xb8;
	[tilespmem:$0xCF80] =	vst v63  }
0x6d: {  	s21 =	simm.s32 $0x2000;
	_ =	swait.ge [sflag:s12], $0x800  }
0x6e: {  	s22 =	simm.s32 $0x10000;
	s23 =	smov.u32 s10;
	[sflag:s12] =	ssyncset.done $0x0  }
.LBB2_2:
0x6f: {  	[sflag:s12] =	ssyncadd.s32 $0xFFFFF800;
	s23 =	sadd.s32 $0x1000, s23  }
0x70: {  	[tilespmem:s14], [sflag:$0x2] =	stream.linear.gather [hbm4b:s23+s3], $0x4000, $0x38;
	[tilespmem:$0xCF80] =	vst v63  }
0x71: {  	_ =	swait.ge [sflag:s15], $0x4000  }
0x72: {  	s25 =	smov.u32 s21;
	[sflag:s15] =	ssyncset.done $0x0  }
0x73: {  	s24 =	sshra.s32 s25, $0x2;
	[sflag:s15] =	ssyncadd.s32 $0xFFFFC000  }
0x74: {  	[spmem:s1] =	stream.indirect.scatter.add.f32 [tilespmem:s13], [sflag:$0x3], $0x10, s24, s16, $0xb8;
	[tilespmem:$0xCF80] =	vst v63  }
0x75: {  	_ =	swait.ge [sflag:s12], $0x800  }
0x76: {  	[sflag:s12] =	ssyncset.done $0x0  }
0x77: {  	s28 =	sadd.s32 $0x80, s24;
	s26 =	rddreg [dreg:$0x4];
	[sflag:s12] =	ssyncadd.s32 $0xFFFFF800  }
0x78: {  	[spmem:s1] =	stream.indirect.scatter.add.f32 [tilespmem:s26], [sflag:$0x3], $0x10, s28, s16, $0xb8;
	[tilespmem:$0xCF80] =	vst v63  }
0x79: {  	_ =	swait.ge [sflag:s12], $0x800  }
0x7a: {  	[sflag:s12] =	ssyncset.done $0x0  }
0x7b: {  	s30 =	sadd.s32 $0x100, s24;
	s29 =	rddreg [dreg:$0x5];
	[sflag:s12] =	ssyncadd.s32 $0xFFFFF800  }
0x7c: {  	[spmem:s1] =	stream.indirect.scatter.add.f32 [tilespmem:s29], [sflag:$0x3], $0x10, s30, s16, $0xb8;
	[tilespmem:$0xCF80] =	vst v63  }
0x7d: {  	_ =	swait.ge [sflag:s12], $0x800  }
0x7e: {  	[sflag:s12] =	ssyncset.done $0x0  }
0x7f: {  	s29 =	sadd.s32 $0x180, s24;
	s31 =	rddreg [dreg:$0x6];
	[sflag:s12] =	ssyncadd.s32 $0xFFFFF800  }
0x80: {  	[spmem:s1] =	stream.indirect.scatter.add.f32 [tilespmem:s31], [sflag:$0x3], $0x10, s29, s16, $0xb8;
	[tilespmem:$0xCF80] =	vst v63  }
0x81: {  	_ =	swait.ge [sflag:s12], $0x800  }
0x82: {  	[sflag:s12] =	ssyncset.done $0x0  }
0x83: {  	s31 =	sadd.s32 $0x200, s24;
	s30 =	rddreg [dreg:$0x7];
	[sflag:s12] =	ssyncadd.s32 $0xFFFFF800  }
0x84: {  	[spmem:s1] =	stream.indirect.scatter.add.f32 [tilespmem:s30], [sflag:$0x3], $0x10, s31, s16, $0xb8;
	[tilespmem:$0xCF80] =	vst v63  }
0x85: {  	_ =	swait.ge [sflag:s12], $0x800  }
0x86: {  	[sflag:s12] =	ssyncset.done $0x0  }
0x87: {  	s30 =	sadd.s32 $0x280, s24;
	s29 =	rddreg [dreg:$0x8];
	[sflag:s12] =	ssyncadd.s32 $0xFFFFF800  }
0x88: {  	[spmem:s1] =	stream.indirect.scatter.add.f32 [tilespmem:s29], [sflag:$0x3], $0x10, s30, s16, $0xb8;
	[tilespmem:$0xCF80] =	vst v63  }
0x89: {  	_ =	swait.ge [sflag:s12], $0x800  }
0x8a: {  	[sflag:s12] =	ssyncset.done $0x0  }
0x8b: {  	s29 =	sadd.s32 $0x300, s24;
	s31 =	rddreg [dreg:$0x9];
	[sflag:s12] =	ssyncadd.s32 $0xFFFFF800  }
0x8c: {  	[spmem:s1] =	stream.indirect.scatter.add.f32 [tilespmem:s31], [sflag:$0x3], $0x10, s29, s16, $0xb8;
	[tilespmem:$0xCF80] =	vst v63  }
0x8d: {  	_ =	swait.ge [sflag:s12], $0x800  }
0x8e: {  	[sflag:s12] =	ssyncset.done $0x0  }
0x8f: {  	s31 =	sadd.s32 $0x380, s24;
	s30 =	rddreg [dreg:$0xa];
	[sflag:s12] =	ssyncadd.s32 $0xFFFFF800  }
0x90: {  	[spmem:s1] =	stream.indirect.scatter.add.f32 [tilespmem:s30], [sflag:$0x3], $0x10, s31, s16, $0xb8;
	[tilespmem:$0xCF80] =	vst v63  }
0x91: {  	p1 =	seq.s32 s25, $0x8000;
	s25 =	smov.u32 s22;
	_ =	swait.ge [sflag:s12], $0x800  }
0x92: {  	s25 =	simm.s32 @p1 $0x4;
	s28 =	rddreg [dreg:$0x3]  }
0x93: {  	s25 =	sadd.s32 s28, s25  }
0x94: {  	[sflag:s12] =	ssyncset.done $0x0;
	s25 =	sshrl.u32 s25, $0x3  }
0x95: {  	[sflag:s12] =	ssyncadd.s32 $0xFFFFF800;
	s25 =	sadd.s32 s4, s25  }
0x96: {  	[tilespmem:s13], [sflag:$0x1] =	stream.linear.gather [hbm4b:s25+s3], $0x4000, $0x38;
	[tilespmem:$0xCF80] =	vst v63  }
0x97: {  	_ =	swait.ge [sflag:s17], $0x4000  }
0x98: {  	[sflag:s17] =	ssyncset.done $0x0  }
0x99: {  	s29 =	sadd.s32 $0x400, s24;
	[sflag:s17] =	ssyncadd.s32 $0xFFFFC000  }
0x9a: {  	[spmem:s1] =	stream.indirect.scatter.add.f32 [tilespmem:s14], [sflag:$0x3], $0x10, s29, s16, $0xb8;
	[tilespmem:$0xCF80] =	vst v63  }
0x9b: {  	_ =	swait.ge [sflag:s12], $0x800  }
0x9c: {  	[sflag:s12] =	ssyncset.done $0x0  }
0x9d: {  	s31 =	sadd.s32 $0x480, s24;
	s30 =	rddreg [dreg:$0xb];
	[sflag:s12] =	ssyncadd.s32 $0xFFFFF800  }
0x9e: {  	[spmem:s1] =	stream.indirect.scatter.add.f32 [tilespmem:s30], [sflag:$0x3], $0x10, s31, s16, $0xb8;
	[tilespmem:$0xCF80] =	vst v63  }
0x9f: {  	_ =	swait.ge [sflag:s12], $0x800  }
0xa0: {  	[sflag:s12] =	ssyncset.done $0x0  }
0xa1: {  	s28 =	sadd.s32 $0x500, s24;
	s26 =	rddreg [dreg:$0xc];
	[sflag:s12] =	ssyncadd.s32 $0xFFFFF800  }
0xa2: {  	[spmem:s1] =	stream.indirect.scatter.add.f32 [tilespmem:s26], [sflag:$0x3], $0x10, s28, s16, $0xb8;
	[tilespmem:$0xCF80] =	vst v63  }
0xa3: {  	_ =	swait.ge [sflag:s12], $0x800  }
0xa4: {  	[sflag:s12] =	ssyncset.done $0x0  }
0xa5: {  	s29 =	sadd.s32 $0x580, s24;
	[sflag:s12] =	ssyncadd.s32 $0xFFFFF800  }
0xa6: {  	[spmem:s1] =	stream.indirect.scatter.add.f32 [tilespmem:s18], [sflag:$0x3], $0x10, s29, s16, $0xb8;
	[tilespmem:$0xCF80] =	vst v63  }
0xa7: {  	_ =	swait.ge [sflag:s12], $0x800  }
0xa8: {  	[sflag:s12] =	ssyncset.done $0x0  }
0xa9: {  	s31 =	sadd.s32 $0x600, s24;
	s30 =	rddreg [dreg:$0xd];
	[sflag:s12] =	ssyncadd.s32 $0xFFFFF800  }
0xaa: {  	[spmem:s1] =	stream.indirect.scatter.add.f32 [tilespmem:s30], [sflag:$0x3], $0x10, s31, s16, $0xb8;
	[tilespmem:$0xCF80] =	vst v63  }
0xab: {  	_ =	swait.ge [sflag:s12], $0x800  }
0xac: {  	[sflag:s12] =	ssyncset.done $0x0  }
0xad: {  	s28 =	sadd.s32 $0x680, s24;
	s26 =	rddreg [dreg:$0xe];
	[sflag:s12] =	ssyncadd.s32 $0xFFFFF800  }
0xae: {  	[spmem:s1] =	stream.indirect.scatter.add.f32 [tilespmem:s26], [sflag:$0x3], $0x10, s28, s16, $0xb8;
	[tilespmem:$0xCF80] =	vst v63  }
0xaf: {  	_ =	swait.ge [sflag:s12], $0x800  }
0xb0: {  	[sflag:s12] =	ssyncset.done $0x0  }
0xb1: {  	s30 =	sadd.s32 $0x700, s24;
	s29 =	rddreg [dreg:$0xf];
	[sflag:s12] =	ssyncadd.s32 $0xFFFFF800  }
0xb2: {  	[spmem:s1] =	stream.indirect.scatter.add.f32 [tilespmem:s29], [sflag:$0x3], $0x10, s30, s16, $0xb8;
	[tilespmem:$0xCF80] =	vst v63  }
0xb3: {  	p0 =	sne.s32 s21, $0x8000;
	_ =	swait.ge [sflag:s12], $0x800  }
.Ltmp0:
0xb4: {  	[sflag:s12] =	ssyncset.done $0x0;
	(pc) =	sbr.rel @p0 .LBB2_2-.Ltmp0, $4  }
0xb5: {  	s24 =	sadd.s32 $0x780, s24;
	s31 =	rddreg [dreg:$0x10];
	[sflag:s12] =	ssyncadd.s32 $0xFFFFF800  }
0xb6: {  	[spmem:s1] =	stream.indirect.scatter.add.f32 [tilespmem:s31], [sflag:$0x3], $0x10, s24, s16, $0xb8;
	[tilespmem:$0xCF80] =	vst v63  }
0xb7: {  	_ =	swait.ge [sflag:s12], $0x800  }
0xb8: {  	s21 =	sadd.s32 $0x2000, s21;
	s22 =	sadd.s32 $0x8000, s22;
	[sflag:s12] =	ssyncset.done $0x0  }
0xb9: {  	[sflag:s12] =	ssyncadd.s32 $0xFFFFF800  }
0xba: {  	_ =	swait.ge [sflag:s15], $0x4000  }
0xbb: {  	s20 =	sadd.s32 $0x1, s20;
	[sflag:s15] =	ssyncset.done $0x0  }
0xbc: {  	p0 =	sne.s32 s20, s9;
	[sflag:s15] =	ssyncadd.s32 $0xFFFFC000  }
.Ltmp1:
0xbd: {  	[bflag:$0x0] =	sbarrier.arrive $0xFFFF;
	(pc) =	sbr.rel @p0 .LBB2_1-.Ltmp1, $4  }
0xbe: {  	[hbm:s19], [sflag:s6] =	dma.local [spmem:s11], $0x4F0  }
0xbf: {  	_ =	swait.ge [sflag:s12], $0x4F0  }
0xc0: {  	[sflag:s12] =	ssyncset.done $0x0  }
0xc1: {  	[sflag:s12] =	ssyncadd.s32 $0xFFFFFB10  }
0xc2: {  	_ =	sfence.sel $0x180000  }
0xc3: {  	[bflag:$0x0] =	sbarrier.arrive $0xFFFF  }
0xc4: {  	p0 =	sne.s32 s2, $0x0;
	_ =	strace $0x9000004A  }
0xc5: {  	s0 =	sadd.s32 @!p0 $0x100000, s0;
	[bflag:$0x2] =	sbarrier.arrive $0xFFFF  }
0xc6: {  	[sflag:s0] =	ssyncadd.tile.s32 @!p0 $0x1;
	_ =	shalt  }
.Lfunc_end2:
_tile_overlayer_lowered:
.L_overlay_start_2:
0xc7: {  	(tag) =	ssettag $0x2  }
0xc8: {  	s0 =	rddreg [dreg:$0x0];
	s2 =	stileid.u32  }
0xc9: {  	s1 =	rddreg [dreg:$0x1];
	p0 =	sne.s32 s2, $0x0  }
0xca: {  	s3 =	rddreg [dreg:$0x2];
	[bflag:$0x3] =	sbarrier.arrive $0xFFFF;
	s2 =	simm.s32 @!p0 $0x1C03  }
0xcb: {  	[timem:s3], [sflag:s2] =	dma.local @!p0 [hbm:s0], s1  }
0xcc: {  	s0 =	simm.s32 @!p0 $0x3  }
0xcd: {  	_ =	swait.ge @!p0 [sflag:s0], s1  }
0xce: {  	s1 =	ssub.s32 @!p0 $0x0, s1;
	[sflag:s0] =	ssyncset.done @!p0 $0x0  }
0xcf: {  	[sflag:s0] =	ssyncadd.s32 @!p0 s1  }
0xd0: {  	[bflag:$0x3] =	sbarrier.arrive $0xFFFF  }
0xd1: {  	_ =	shalt  }

// kernel: kernel.7.cloned.1.call-start
scs
__scs_entry_jumppad:
0x0: {  	(pc) =	sbr.rel $0x88, $3  }
0x1: {  	(tag) =	ssettag $0x0;
	lr =	simm.s32 $0x1  }
0x2: {  	[smem:$0x3F96] =	sst lr;
	_ =	strace $0xD0000000  }
0x3: {  	_ = 	snop  }
0x4: {  	_ = 	snop  }
0x5: {  	_ = 	snop  }
0x6: {  	_ = 	snop  }
0x7: {  	_ = 	snop  }
__scs_overlays_trampoline_lowered:
0x8: {  	[smem:$0x3FA5] =	sst s0  }
0x9: {  	[smem:$0x3FA6] =	sst s1  }
0xa: {  	[smem:$0x3FA7] =	sst s2  }
0xb: {  	[smem:$0x3FA8] =	sst s3  }
0xc: {  	[smem:$0x3FA9] =	sst s4  }
0xd: {  	[smem:$0x3FAA] =	sst s5  }
0xe: {  	[smem:$0x3FAB] =	sst s6  }
0xf: {  	[smem:$0x3FAC] =	sst s7  }
0x10: {  	[smem:$0x3FAD] =	sst s8  }
0x11: {  	[smem:$0x3FAE] =	sst s9;
	s0 =	simm.s32 @!p0 $0x0  }
0x12: {  	s1 =	sld [smem:$0x3F94];
	s0 =	simm.s32 @p0 $0x1  }
0x13: {  	[smem:$0x3FAF] =	sst s0;
	s0 =	simm.s32 @!p1 $0x0  }
0x14: {  	s2 =	sld [smem:$0x3F93];
	s0 =	simm.s32 @p1 $0x1  }
0x15: {  	[smem:$0x3FB0] =	sst s0;
	s0 =	simm.s32 @!p2 $0x0  }
0x16: {  	s3 =	sld [smem:$0x3FDB];
	s0 =	simm.s32 @p2 $0x1  }
0x17: {  	s4 =	simm.s32 $0x1BF5;
	[smem:$0x3FB2] =	sst s0  }
0x18: {  	s0 =	sld [smem:$0x3F95];
	_ =	swait.ge [sflag:s4], $0x0  }
0x19: {  	s7 =	sld [smem:$0x3F96]  }
0x1a: {  	s8 =	sadd.s32 $0xFFFFE003, lr  }
0x1b: {  	s9 =	sadd.s32 $0xFFFFFEF7, lr;
	s5 =	simm.s32 $0xFFFFFFFF;
	p2 =	slt.u32 s8, $0xFFFFF086  }
0x1c: {  	p1 =	slt.u32 s9, $0xF7A;
	s5 =	simm.s32 @!p2 $0x0  }
0x1d: {  	s5 =	simm.s32 @p1 $0x1;
	p0 =	seq.s32 s7, s2  }
0x1e: {  	s7 =	smul.u32 @!p0 $0xF7A, s2;
	p2 =	seq.s32 @!p0 s5, $0x0  }
0x1f: {  	s9 =	smul.u32 $0xF7A, s1;
	s8 =	simm.s32 @!p0 $0x1BF5;
	p2 =	por !p2, p0  }
0x20: {  	[sflag:s8] =	ssyncset.s32 @!p0 $0xFFFFF086;
	s6 =	sadd.s32 @!p0 s3, s7;
	s7 =	simm.s32 @!p0 $0x108  }
0x21: {  	s3 =	sadd.s32 s3, s9;
	s6 =	sadd.s32 @!p0 $0x88, s6;
	s7 =	simm.s32 @p2 $0x1082  }
0x22: {  	[simem:s7], [sflag:s8] =	dma.local @!p0 [hbm:s6], $0xF7A  }
0x23: {  	s9 =	sor.u32 $0xD0000000, s2;
	s6 =	simm.s32 $0x108;
	_ =	swait.ge @!p0 [sflag:s8], $0x0  }
0x24: {  	s3 =	sadd.s32 $0x88, s3;
	s6 =	simm.s32 @!p1 $0x1082;
	[sflag:s4] =	ssyncset.s32 $0xFFFFF086  }
0x25: {  	[simem:s6], [sflag:s4] =	dma.local [hbm:s3], $0xF7A  }
0x26: {  	[smem:$0x3F96] =	sst s1;
	(tag) =	ssettag s2;
	_ =	strace s9  }
0x27: {  	s1 =	sld [smem:$0x3FA6]  }
0x28: {  	s2 =	sld [smem:$0x3FA7]  }
0x29: {  	s4 =	sld [smem:$0x3FA9]  }
0x2a: {  	p0 =	seq.s32 s5, $0x0;
	s5 =	sld [smem:$0x3FAA]  }
0x2b: {  	s6 =	sld [smem:$0x3FAB]  }
0x2c: {  	s7 =	sld [smem:$0x3FAC]  }
0x2d: {  	s3 =	simm.s32 $0x108;
	s8 =	sld [smem:$0x3FAD]  }
0x2e: {  	s3 =	simm.s32 @!p0 $0x1082;
	s9 =	sld [smem:$0x3FAE]  }
0x2f: {  	lr =	sadd.s32 s0, s3;
	s0 =	sld [smem:$0x3FA5]  }
0x30: {  	s3 =	sld [smem:$0x3FA8]  }
0x31: {  	[smem:$0x3FB1] =	sst s10  }
0x32: {  	s10 =	sld [smem:$0x3FAF];
	_ =	sdelay $0x3  }
0x33: {  	p0 =	seq.s32 s10, $0x1;
	s10 =	sld [smem:$0x3FB1];
	_ =	sdelay $0x3  }
0x34: {  	[smem:$0x3FB1] =	sst s10  }
0x35: {  	s10 =	sld [smem:$0x3FB0];
	_ =	sdelay $0x3  }
0x36: {  	p1 =	seq.s32 s10, $0x1;
	s10 =	sld [smem:$0x3FB1];
	_ =	sdelay $0x3  }
0x37: {  	[smem:$0x3FB1] =	sst s10  }
0x38: {  	s10 =	sld [smem:$0x3FB2]  }
0x39: {  	_ = 	snop;
	(pc) =	sbr.ind lr, $3  }
0x3a: {  	_ = 	snop  }
0x3b: {  	_ = 	snop  }
0x3c: {  	p2 =	seq.s32 s10, $0x1;
	s10 =	sld [smem:$0x3FB1]  }
0x3d: {  	_ =	shalt  }
0x3e: {  	_ =	shalt  }
0x3f: {  	_ =	shalt  }
0x40: {  	_ =	shalt  }
0x41: {  	_ =	shalt  }
0x42: {  	_ =	shalt  }
0x43: {  	_ =	shalt  }
0x44: {  	_ =	shalt  }
0x45: {  	_ =	shalt  }
0x46: {  	_ =	shalt  }
0x47: {  	_ =	shalt  }
0x48: {  	_ =	shalt  }
0x49: {  	_ =	shalt  }
0x4a: {  	_ =	shalt  }
0x4b: {  	_ =	shalt  }
0x4c: {  	_ =	shalt  }
0x4d: {  	_ =	shalt  }
0x4e: {  	_ =	shalt  }
0x4f: {  	_ =	shalt  }
0x50: {  	_ =	shalt  }
0x51: {  	_ =	shalt  }
0x52: {  	_ =	shalt  }
0x53: {  	_ =	shalt  }
0x54: {  	_ =	shalt  }
0x55: {  	_ =	shalt  }
0x56: {  	_ =	shalt  }
0x57: {  	_ =	shalt  }
0x58: {  	_ =	shalt  }
0x59: {  	_ =	shalt  }
0x5a: {  	_ =	shalt  }
0x5b: {  	_ =	shalt  }
0x5c: {  	_ =	shalt  }
0x5d: {  	_ =	shalt  }
0x5e: {  	_ =	shalt  }
0x5f: {  	_ =	shalt  }
0x60: {  	_ =	shalt  }
0x61: {  	_ =	shalt  }
0x62: {  	_ =	shalt  }
0x63: {  	_ =	shalt  }
0x64: {  	_ =	shalt  }
0x65: {  	_ =	shalt  }
0x66: {  	_ =	shalt  }
0x67: {  	_ =	shalt  }
0x68: {  	_ =	shalt  }
0x69: {  	_ =	shalt  }
0x6a: {  	_ =	shalt  }
0x6b: {  	_ =	shalt  }
0x6c: {  	_ =	shalt  }
0x6d: {  	_ =	shalt  }
0x6e: {  	_ =	shalt  }
0x6f: {  	_ =	shalt  }
0x70: {  	_ =	shalt  }
0x71: {  	_ =	shalt  }
0x72: {  	_ =	shalt  }
0x73: {  	_ =	shalt  }
0x74: {  	_ =	shalt  }
0x75: {  	_ =	shalt  }
0x76: {  	_ =	shalt  }
0x77: {  	_ =	shalt  }
0x78: {  	_ =	shalt  }
0x79: {  	_ =	shalt  }
0x7a: {  	_ =	shalt  }
0x7b: {  	_ =	shalt  }
0x7c: {  	_ =	shalt  }
0x7d: {  	_ =	shalt  }
0x7e: {  	_ =	shalt  }
0x7f: {  	_ =	shalt  }
0x80: {  	_ =	shalt  }
0x81: {  	_ =	shalt  }
0x82: {  	_ =	shalt  }
0x83: {  	_ =	shalt  }
0x84: {  	_ =	shalt  }
0x85: {  	_ =	shalt  }
0x86: {  	_ =	shalt  }
0x87: {  	_ =	shalt  }
.Lfunc_end0:
.L_simem_size_0:
called_computation_lowered:
.L_overlay_start_0:
0x88: {  	s2 =	sld [smem:$0x3FD9]  }
0x89: {  	s3 =	sld [smem:$0x3FFE];
	_ =	sdelay $0x1  }
0x8a: {  	s1 =	srdreg.scid  }
0x8b: {  	s0 =	sand.u32 $0x1, s1  }
0x8c: {  	s16 =	sshll.u32 s0, $0xA;
	s2 =	sadd.s32 s3, s2  }
0x8d: {  	s2 =	sadd.s32 s2, s16  }
0x8e: {  	[smem:$0x3FBD] =	sst s2  }
0x8f: {  	_ = 	snop  }
0x90: {  	(tm) =	ssettm $0x1  }
0x91: {  	s17 =	sld [smem:$0x3FFB];
	_ =	sdelay $0x3  }
0x92: {  	_ =	strace s17  }
0x93: {  	s2 =	sld [smem:$0x3FFC];
	_ =	sdelay $0x3  }
0x94: {  	_ =	strace s2  }
0x95: {  	s2 =	sld [smem:$0x3FFD];
	_ =	sdelay $0x3  }
0x96: {  	_ =	strace s2  }
0x97: {  	_ =	strace $0x8FFFFFFF  }
0x98: {  	s18 =	sld [smem:$0x3FDB];
	_ =	sdelay $0x1  }
0x99: {  	s19 =	simm.s32 $_scs_section_size  }
0x9a: {  	s4 =	simm.s32 $_size__tile_overlayer_lowered;
	s5 =	simm.s32 $_tile_overlayer_lowered  }
0x9b: {  	s22 =	simm.s32 $0x1BFF;
	s21 =	sshll.u32 s5, $0x1;
	s2 =	sadd.s32 s19, s18  }
0x9c: {  	s6 =	simm.s32 $0x0;
	s20 =	sshll.u32 s4, $0x1;
	s4 =	sadd.s32 s21, s2  }
0x9d: {  	[timem:s6], [sflag:s22] =	dma.local [hbm:s4], s20  }
0x9e: {  	_ =	swait.ge [sflag:s22], s20  }
0x9f: {  	s3 =	ssub.s32 $0x0, s20;
	[sflag:s22] =	ssyncset.done $0x0  }
0xa0: {  	[sflag:s22] =	ssyncadd.s32 s3;
	_ =	sdelay $0x1  }
0xa1: {  	s23 =	simm.s32 $0x1B8B  }
0xa2: {  	_ =	swait.ge [sflag:s23], $0x1  }
0xa3: {  	[sflag:s23] =	ssyncset.done $0x0  }
0xa4: {  	s25 =	simm.s32 $0x1B8E;
	s24 =	sld [smem:$0x3FFE];
	[sflag:s23] =	ssyncadd.s32 $0xFFFFFFFF  }
0xa5: {  	s26 =	simm.s32 $execute0_lowered;
	[smem:$0x3FD2] =	sst s25  }
0xa6: {  	s4 =	sshll.u32 s26, $0x1;
	_ =	strace $0x80000046;
	[dreg:$0x1] =	wrdreg $0xFFFFFFFF  }
0xa7: {  	s28 =	simm.s32 $_size_execute0_lowered;
	s2 =	sadd.s32 s2, s4;
	[dreg:$0x0] =	wrdreg $0x0  }
0xa8: {  	s4 =	sshll.u32 s28, $0x1;
	[dreg:$0x2] =	wrdreg s2  }
0xa9: {  	[dreg:$0x3] =	wrdreg s4  }
0xaa: {  	[dreg:$0x4] =	wrdreg $0xC0  }
0xab: {  	_ =	task [dreg:s6], $0x5FFFF  }
0xac: {  	[dreg:$0x1] =	wrdreg $0xFFFFFFFF  }
0xad: {  	[dreg:$0x0] =	wrdreg $0x60  }
0xae: {  	[dreg:$0x2] =	wrdreg s24  }
0xaf: {  	[dreg:$0x3] =	wrdreg $0x9  }
0xb0: {  	_ =	task.clear_ibuf [dreg:s6], $0x4FFFF;
	_ =	strace $0x90000046  }
0xb1: {  	s29 =	simm.s32 $0x9;
	_ =	strace $0x80000048  }
0xb2: {  	_ =	swait.ge [sflag:s29], $0x1  }
0xb3: {  	[sflag:s29] =	ssyncadd.s32 $0xFFFFFFFF  }
0xb4: {  	_ =	strace $0x90000048  }
0xb5: {  	_ =	sfence  }
0xb6: {  	s30 =	sld [smem:$0x0];
	_ =	sdelay $0x2  }
0xb7: {  	s31 =	sshll.u32 s1, $0xD;
	s1 =	sshrl.u32 s1, $0x2  }
0xb8: {  	s3 =	sand.u32 $0x4000, s31;
	s1 =	sadd.s32 s1, s30  }
0xb9: {  	s0 =	sor.u32 s3, s0;
	s1 =	sshll.u32 s1, $0x11  }
0xba: {  	s0 =	sor.u32 s1, s0  }
0xbb: {  	s0 =	sadd.s32 $0x8F2B, s0  }
0xbc: {  	[sflag:s0] =	ssyncadd.remote.s32 $0x1  }
0xbd: {  	_ =	sfence.sel $0xFFFF  }
0xbe: {  	[dreg:$0x0] =	wrdreg $0xFFFFFFFF;
	(pc) =	sbr.abs _section_cstart, $3  }
0xbf: {  	[dreg:$0x1] =	wrdreg $0xFFFFFFFF  }
0xc0: {  	_ =	task.clear_ibuf [dreg:s6], $0x2FFFF;
	_ =	strace $0x9FFFFFFF  }
0xc1: {  	(tm) =	ssettm $0x7FFFFFFF  }
tec
execute0_lowered:
.L_overlay_start_1:
0x0: {  	(tag) =	ssettag $0x1  }
0x1: {  	s0 =	srdreg.scid  }
0x2: {  	s4 =	rddreg [dreg:$0x0];
	s1 =	stileid.u32;
	s2 =	simm.s32 $0x0  }
0x3: {  	s24 =	simm.s32 $0x3000;
	s25 =	simm.s32 $0x3800;
	s9 =	simm.s32 $0x4000  }
0x4: {  	s28 =	simm.s32 $0x4800;
	s29 =	simm.s32 $0x5000;
	s30 =	simm.s32 $0x5800  }
0x5: {  	s31 =	simm.s32 $0x6000;
	s3 =	sand.u32 $0x1, s0;
	s0 =	rddreg [dreg:$0x1]  }
0x6: {  	s10 =	simm.s32 $0x7000;
	s11 =	simm.s32 $0x7800;
	[smem:$0x7FF] =	sst s2  }
0x7: {  	s12 =	simm.s32 $0x8800;
	_ =	strace $0x80000047;
	[dreg:$0x2] =	wrdreg s24  }
0x8: {  	s13 =	simm.s32 $0x9000;
	s14 =	simm.s32 $0x9800;
	[dreg:$0x3] =	wrdreg s25  }
0x9: {  	s15 =	simm.s32 $0xA000;
	s16 =	simm.s32 $0x1;
	[dreg:$0x4] =	wrdreg s9  }
0xa: {  	s17 =	simm.s32 $0x2;
	s18 =	simm.s32 $0x3;
	[dreg:$0x5] =	wrdreg s28  }
0xb: {  	s19 =	simm.s32 $0x4;
	s20 =	simm.s32 $0x0;
	[dreg:$0x6] =	wrdreg s29  }
0xc: {  	s26 =	smul.u32 $0x5000, s1;
	s5 =	sshll.u32 s3, $0x4;
	[dreg:$0x7] =	wrdreg s30  }
0xd: {  	s6 =	smul.u32 $0x50000, s3;
	s7 =	ssub.s32 $0x2, s3;
	[dreg:$0x8] =	wrdreg s31  }
0xe: {  	s3 =	sadd.s32 $0x2A600, s4;
	s9 =	simm.s32 $0x2800;
	[dreg:$0x9] =	wrdreg s10  }
0xf: {  	s10 =	simm.s32 $0x6800;
	[dreg:$0xa] =	wrdreg s11;
	s5 =	sor.u32 s1, s5  }
0x10: {  	s8 =	sshrl.u32 s7, $0x1;
	s5 =	smul.u32 $0x500, s5;
	s6 =	sadd.s32 s6, s4  }
0x11: {  	s11 =	simm.s32 $0x8000;
	s7 =	ssub.s32 s7, s8;
	s6 =	sadd.s32 s26, s6  }
0x12: {  	s8 =	simm.s32 $0x80;
	s5 =	sadd.s32 s5, s4;
	s6 =	sadd.s32 $0x43E00, s6  }
0x13: {  	s4 =	sadd.s32 $0x2F600, s5;
	s5 =	smax.u32 s7, $0x1;
	s7 =	simm.s32 $0x5  }
.LBB2_1:
0x14: {  	[tilespmem:s2], [sflag:$0x5] =	stream.linear.gather [hbm4b:s4+s2], $0x2800, $0x38;
	[tilespmem:$0xA800] =	vst v63  }
0x15: {  	_ =	swait.ge [sflag:s7], $0x2800  }
0x16: {  	p0 =	por $0x1, $0x1;
	[sflag:s7] =	ssyncset.done $0x0  }
0x17: {  	s21 =	simm.s32 @!p0 $0x3;
	[sflag:s7] =	ssyncadd.s32 $0xFFFFD800  }
0x18: {  	_ =	swait.ge @!p0 [sflag:s21], $0x4000  }
0x19: {  	[sflag:s21] =	ssyncset.done @!p0 $0x0  }
0x1a: {  	s30 =	simm.s32 $0x0;
	[sflag:s21] =	ssyncadd.s32 @!p0 $0xFFFFC000  }
0x1b: {  	[tilespmem:s9], [sflag:$0x1] =	stream.indirect.gather [hbm4b:s3+s8], $0x10, s30, s8, $0xb8;
	[tilespmem:$0xA800] =	vst v63  }
0x1c: {  	s31 =	simm.s32 $0x80;
	s22 =	rddreg [dreg:$0x2]  }
0x1d: {  	[tilespmem:s22], [sflag:$0x1] =	stream.indirect.gather [hbm4b:s3+s8], $0x10, s31, s8, $0xb8;
	[tilespmem:$0xA800] =	vst v63  }
0x1e: {  	s23 =	rddreg [dreg:$0x3];
	s22 =	simm.s32 $0x100  }
0x1f: {  	[tilespmem:s23], [sflag:$0x1] =	stream.indirect.gather [hbm4b:s3+s8], $0x10, s22, s8, $0xb8;
	[tilespmem:$0xA800] =	vst v63  }
0x20: {  	s25 =	simm.s32 $0x180;
	s24 =	rddreg [dreg:$0x4]  }
0x21: {  	[tilespmem:s24], [sflag:$0x1] =	stream.indirect.gather [hbm4b:s3+s8], $0x10, s25, s8, $0xb8;
	[tilespmem:$0xA800] =	vst v63  }
0x22: {  	s28 =	simm.s32 $0x200;
	s26 =	rddreg [dreg:$0x5]  }
0x23: {  	[tilespmem:s26], [sflag:$0x1] =	stream.indirect.gather [hbm4b:s3+s8], $0x10, s28, s8, $0xb8;
	[tilespmem:$0xA800] =	vst v63  }
0x24: {  	s29 =	rddreg [dreg:$0x6];
	s30 =	simm.s32 $0x280  }
0x25: {  	[tilespmem:s29], [sflag:$0x1] =	stream.indirect.gather [hbm4b:s3+s8], $0x10, s30, s8, $0xb8;
	[tilespmem:$0xA800] =	vst v63  }
0x26: {  	s31 =	rddreg [dreg:$0x7];
	s24 =	simm.s32 $0x300  }
0x27: {  	[tilespmem:s31], [sflag:$0x1] =	stream.indirect.gather [hbm4b:s3+s8], $0x10, s24, s8, $0xb8;
	[tilespmem:$0xA800] =	vst v63  }
0x28: {  	s23 =	simm.s32 @!p0 $0x4;
	s25 =	rddreg [dreg:$0x8];
	s26 =	simm.s32 $0x380  }
0x29: {  	[tilespmem:s25], [sflag:$0x1] =	stream.indirect.gather [hbm4b:s3+s8], $0x10, s26, s8, $0xb8;
	[tilespmem:$0xA800] =	vst v63  }
0x2a: {  	_ =	swait.ge @!p0 [sflag:s23], $0x4000  }
0x2b: {  	[sflag:s23] =	ssyncset.done @!p0 $0x0  }
0x2c: {  	s28 =	simm.s32 $0x400;
	[sflag:s23] =	ssyncadd.s32 @!p0 $0xFFFFC000  }
0x2d: {  	[tilespmem:s10], [sflag:$0x2] =	stream.indirect.gather [hbm4b:s3+s8], $0x10, s28, s8, $0xb8;
	[tilespmem:$0xA800] =	vst v63  }
0x2e: {  	s30 =	simm.s32 $0x480;
	s29 =	rddreg [dreg:$0x9]  }
0x2f: {  	[tilespmem:s29], [sflag:$0x2] =	stream.indirect.gather [hbm4b:s3+s8], $0x10, s30, s8, $0xb8;
	[tilespmem:$0xA800] =	vst v63  }
0x30: {  	s24 =	simm.s32 $0x500;
	s31 =	rddreg [dreg:$0xa]  }
0x31: {  	[tilespmem:s31], [sflag:$0x2] =	stream.indirect.gather [hbm4b:s3+s8], $0x10, s24, s8, $0xb8;
	[tilespmem:$0xA800] =	vst v63  }
0x32: {  	s25 =	simm.s32 $0x580  }
0x33: {  	[tilespmem:s11], [sflag:$0x2] =	stream.indirect.gather [hbm4b:s3+s8], $0x10, s25, s8, $0xb8;
	[tilespmem:$0xA800] =	vst v63  }
0x34: {  	s26 =	simm.s32 $0x600  }
0x35: {  	[tilespmem:s12], [sflag:$0x2] =	stream.indirect.gather [hbm4b:s3+s8], $0x10, s26, s8, $0xb8;
	[tilespmem:$0xA800] =	vst v63  }
0x36: {  	s28 =	simm.s32 $0x680  }
0x37: {  	[tilespmem:s13], [sflag:$0x2] =	stream.indirect.gather [hbm4b:s3+s8], $0x10, s28, s8, $0xb8;
	[tilespmem:$0xA800] =	vst v63  }
0x38: {  	s29 =	simm.s32 $0x700  }
0x39: {  	[tilespmem:s14], [sflag:$0x2] =	stream.indirect.gather [hbm4b:s3+s8], $0x10, s29, s8, $0xb8;
	[tilespmem:$0xA800] =	vst v63  }
0x3a: {  	s30 =	simm.s32 $0x780  }
0x3b: {  	[tilespmem:s15], [sflag:$0x2] =	stream.indirect.gather [hbm4b:s3+s8], $0x10, s30, s8, $0xb8;
	[tilespmem:$0xA800] =	vst v63  }
0x3c: {  	_ =	swait.ge [sflag:s16], $0x800  }
0x3d: {  	[sflag:s16] =	ssyncset.done $0x0  }
0x3e: {  	[sflag:s16] =	ssyncadd.s32 $0xFFFFF800  }
0x3f: {  	_ =	swait.ge [sflag:s16], $0x800  }
0x40: {  	[sflag:s16] =	ssyncset.done $0x0  }
0x41: {  	[sflag:s16] =	ssyncadd.s32 $0xFFFFF800  }
0x42: {  	_ =	swait.ge [sflag:s16], $0x800  }
0x43: {  	[sflag:s16] =	ssyncset.done $0x0  }
0x44: {  	[sflag:s16] =	ssyncadd.s32 $0xFFFFF800  }
0x45: {  	_ =	swait.ge [sflag:s16], $0x800  }
0x46: {  	[sflag:s16] =	ssyncset.done $0x0  }
0x47: {  	[sflag:s16] =	ssyncadd.s32 $0xFFFFF800  }
0x48: {  	_ =	swait.ge [sflag:s16], $0x800  }
0x49: {  	[sflag:s16] =	ssyncset.done $0x0  }
0x4a: {  	[sflag:s16] =	ssyncadd.s32 $0xFFFFF800  }
0x4b: {  	_ =	swait.ge [sflag:s16], $0x800  }
0x4c: {  	[sflag:s16] =	ssyncset.done $0x0  }
0x4d: {  	[sflag:s16] =	ssyncadd.s32 $0xFFFFF800  }
0x4e: {  	_ =	swait.ge [sflag:s16], $0x800  }
0x4f: {  	[sflag:s16] =	ssyncset.done $0x0  }
0x50: {  	[sflag:s16] =	ssyncadd.s32 $0xFFFFF800  }
0x51: {  	_ =	swait.ge [sflag:s16], $0x800  }
0x52: {  	[sflag:s16] =	ssyncset.done $0x0  }
0x53: {  	s31 =	sadd.s32 $0xFFFFF800, s6;
	[sflag:s16] =	ssyncadd.s32 $0xFFFFF800  }
0x54: {  	[hbm4b:s31+s2] =	stream.linear.scatter [tilespmem:s9], [sflag:$0x3], $0x4000, $0x38;
	[tilespmem:$0xA800] =	vst v63  }
0x55: {  	_ =	swait.ge [sflag:s17], $0x800  }
0x56: {  	[sflag:s17] =	ssyncset.done $0x0  }
0x57: {  	[sflag:s17] =	ssyncadd.s32 $0xFFFFF800  }
0x58: {  	_ =	swait.ge [sflag:s17], $0x800  }
0x59: {  	[sflag:s17] =	ssyncset.done $0x0  }
0x5a: {  	[sflag:s17] =	ssyncadd.s32 $0xFFFFF800  }
0x5b: {  	_ =	swait.ge [sflag:s17], $0x800  }
0x5c: {  	[sflag:s17] =	ssyncset.done $0x0  }
0x5d: {  	[sflag:s17] =	ssyncadd.s32 $0xFFFFF800  }
0x5e: {  	_ =	swait.ge [sflag:s17], $0x800  }
0x5f: {  	[sflag:s17] =	ssyncset.done $0x0  }
0x60: {  	[sflag:s17] =	ssyncadd.s32 $0xFFFFF800  }
0x61: {  	_ =	swait.ge [sflag:s17], $0x800  }
0x62: {  	[sflag:s17] =	ssyncset.done $0x0  }
0x63: {  	[sflag:s17] =	ssyncadd.s32 $0xFFFFF800  }
0x64: {  	_ =	swait.ge [sflag:s17], $0x800  }
0x65: {  	[sflag:s17] =	ssyncset.done $0x0  }
0x66: {  	[sflag:s17] =	ssyncadd.s32 $0xFFFFF800  }
0x67: {  	_ =	swait.ge [sflag:s17], $0x800  }
0x68: {  	[sflag:s17] =	ssyncset.done $0x0  }
0x69: {  	p1 =	por $0x0, $0x0;
	[sflag:s17] =	ssyncadd.s32 $0xFFFFF800  }
0x6a: {  	s21 =	sadd.s32 $0x1000, s6;
	s22 =	simm.s32 $0x2000;
	_ =	swait.ge [sflag:s17], $0x800  }
0x6b: {  	s23 =	simm.s32 $0x4000;
	s24 =	smov.u32 s6;
	[sflag:s17] =	ssyncset.done $0x0  }
.LBB2_2:
0x6c: {  	s25 =	simm.s32 @!p1 $0x3;
	[sflag:s17] =	ssyncadd.s32 $0xFFFFF800  }
0x6d: {  	[hbm4b:s24+s2] =	stream.linear.scatter [tilespmem:s10], [sflag:$0x4], $0x4000, $0x38;
	[tilespmem:$0xA800] =	vst v63  }
0x6e: {  	_ =	swait.ge @!p1 [sflag:s25], $0x4000  }
0x6f: {  	[sflag:s25] =	ssyncset.done @!p1 $0x0  }
0x70: {  	[sflag:s25] =	ssyncadd.s32 @!p1 $0xFFFFC000;
	s25 =	sshra.s32 s22, $0x2  }
0x71: {  	[tilespmem:s9], [sflag:$0x1] =	stream.indirect.gather [hbm4b:s3+s8], $0x10, s25, s8, $0xb8;
	[tilespmem:$0xA800] =	vst v63  }
0x72: {  	s28 =	rddreg [dreg:$0x2];
	s29 =	sadd.s32 $0x80, s25  }
0x73: {  	[tilespmem:s28], [sflag:$0x1] =	stream.indirect.gather [hbm4b:s3+s8], $0x10, s29, s8, $0xb8;
	[tilespmem:$0xA800] =	vst v63  }
0x74: {  	s30 =	rddreg [dreg:$0x3];
	s29 =	sadd.s32 $0x100, s25  }
0x75: {  	[tilespmem:s30], [sflag:$0x1] =	stream.indirect.gather [hbm4b:s3+s8], $0x10, s29, s8, $0xb8;
	[tilespmem:$0xA800] =	vst v63  }
0x76: {  	s31 =	sadd.s32 $0x180, s25;
	s28 =	rddreg [dreg:$0x4]  }
0x77: {  	[tilespmem:s28], [sflag:$0x1] =	stream.indirect.gather [hbm4b:s3+s8], $0x10, s31, s8, $0xb8;
	[tilespmem:$0xA800] =	vst v63  }
0x78: {  	s29 =	rddreg [dreg:$0x5];
	s30 =	sadd.s32 $0x200, s25  }
0x79: {  	[tilespmem:s29], [sflag:$0x1] =	stream.indirect.gather [hbm4b:s3+s8], $0x10, s30, s8, $0xb8;
	[tilespmem:$0xA800] =	vst v63  }
0x7a: {  	s31 =	rddreg [dreg:$0x6];
	s30 =	sadd.s32 $0x280, s25  }
0x7b: {  	[tilespmem:s31], [sflag:$0x1] =	stream.indirect.gather [hbm4b:s3+s8], $0x10, s30, s8, $0xb8;
	[tilespmem:$0xA800] =	vst v63  }
0x7c: {  	s29 =	rddreg [dreg:$0x7];
	s31 =	sadd.s32 $0x300, s25  }
0x7d: {  	[tilespmem:s29], [sflag:$0x1] =	stream.indirect.gather [hbm4b:s3+s8], $0x10, s31, s8, $0xb8;
	[tilespmem:$0xA800] =	vst v63  }
0x7e: {  	s30 =	rddreg [dreg:$0x8];
	s31 =	sadd.s32 $0x380, s25;
	s29 =	simm.s32 @!p1 $0x4  }
0x7f: {  	[tilespmem:s30], [sflag:$0x1] =	stream.indirect.gather [hbm4b:s3+s8], $0x10, s31, s8, $0xb8;
	[tilespmem:$0xA800] =	vst v63  }
0x80: {  	_ =	swait.ge @!p1 [sflag:s29], $0x4000  }
0x81: {  	[sflag:s29] =	ssyncset.done @!p1 $0x0  }
0x82: {  	[sflag:s29] =	ssyncadd.s32 @!p1 $0xFFFFC000;
	s29 =	sadd.s32 $0x400, s25  }
0x83: {  	[tilespmem:s10], [sflag:$0x2] =	stream.indirect.gather [hbm4b:s3+s8], $0x10, s29, s8, $0xb8;
	[tilespmem:$0xA800] =	vst v63  }
0x84: {  	s30 =	sadd.s32 $0x480, s25;
	s28 =	rddreg [dreg:$0x9]  }
0x85: {  	[tilespmem:s28], [sflag:$0x2] =	stream.indirect.gather [hbm4b:s3+s8], $0x10, s30, s8, $0xb8;
	[tilespmem:$0xA800] =	vst v63  }
0x86: {  	s31 =	rddreg [dreg:$0xa];
	s30 =	sadd.s32 $0x500, s25  }
0x87: {  	[tilespmem:s31], [sflag:$0x2] =	stream.indirect.gather [hbm4b:s3+s8], $0x10, s30, s8, $0xb8;
	[tilespmem:$0xA800] =	vst v63  }
0x88: {  	s31 =	sadd.s32 $0x580, s25  }
0x89: {  	[tilespmem:s11], [sflag:$0x2] =	stream.indirect.gather [hbm4b:s3+s8], $0x10, s31, s8, $0xb8;
	[tilespmem:$0xA800] =	vst v63  }
0x8a: {  	s28 =	sadd.s32 $0x600, s25  }
0x8b: {  	[tilespmem:s12], [sflag:$0x2] =	stream.indirect.gather [hbm4b:s3+s8], $0x10, s28, s8, $0xb8;
	[tilespmem:$0xA800] =	vst v63  }
0x8c: {  	s29 =	sadd.s32 $0x680, s25  }
0x8d: {  	[tilespmem:s13], [sflag:$0x2] =	stream.indirect.gather [hbm4b:s3+s8], $0x10, s29, s8, $0xb8;
	[tilespmem:$0xA800] =	vst v63  }
0x8e: {  	s30 =	sadd.s32 $0x700, s25  }
0x8f: {  	[tilespmem:s14], [sflag:$0x2] =	stream.indirect.gather [hbm4b:s3+s8], $0x10, s30, s8, $0xb8;
	[tilespmem:$0xA800] =	vst v63  }
0x90: {  	s25 =	sadd.s32 $0x780, s25  }
0x91: {  	[tilespmem:s15], [sflag:$0x2] =	stream.indirect.gather [hbm4b:s3+s8], $0x10, s25, s8, $0xb8;
	[tilespmem:$0xA800] =	vst v63  }
0x92: {  	_ =	swait.ge [sflag:s16], $0x800  }
0x93: {  	[sflag:s16] =	ssyncset.done $0x0  }
0x94: {  	[sflag:s16] =	ssyncadd.s32 $0xFFFFF800  }
0x95: {  	_ =	swait.ge [sflag:s16], $0x800  }
0x96: {  	[sflag:s16] =	ssyncset.done $0x0  }
0x97: {  	[sflag:s16] =	ssyncadd.s32 $0xFFFFF800  }
0x98: {  	_ =	swait.ge [sflag:s16], $0x800  }
0x99: {  	[sflag:s16] =	ssyncset.done $0x0  }
0x9a: {  	[sflag:s16] =	ssyncadd.s32 $0xFFFFF800  }
0x9b: {  	_ =	swait.ge [sflag:s16], $0x800  }
0x9c: {  	[sflag:s16] =	ssyncset.done $0x0  }
0x9d: {  	[sflag:s16] =	ssyncadd.s32 $0xFFFFF800  }
0x9e: {  	_ =	swait.ge [sflag:s16], $0x800  }
0x9f: {  	[sflag:s16] =	ssyncset.done $0x0  }
0xa0: {  	[sflag:s16] =	ssyncadd.s32 $0xFFFFF800  }
0xa1: {  	_ =	swait.ge [sflag:s16], $0x800  }
0xa2: {  	[sflag:s16] =	ssyncset.done $0x0  }
0xa3: {  	[sflag:s16] =	ssyncadd.s32 $0xFFFFF800  }
0xa4: {  	_ =	swait.ge [sflag:s16], $0x800  }
0xa5: {  	[sflag:s16] =	ssyncset.done $0x0  }
0xa6: {  	[sflag:s16] =	ssyncadd.s32 $0xFFFFF800  }
0xa7: {  	_ =	swait.ge [sflag:s16], $0x800  }
0xa8: {  	[sflag:s16] =	ssyncset.done $0x0  }
0xa9: {  	s31 =	sadd.s32 $0xFFFFF800, s21;
	[sflag:s16] =	ssyncadd.s32 $0xFFFFF800  }
0xaa: {  	[hbm4b:s31+s2] =	stream.linear.scatter [tilespmem:s9], [sflag:$0x3], $0x4000, $0x38;
	[tilespmem:$0xA800] =	vst v63  }
0xab: {  	_ =	swait.ge [sflag:s17], $0x800  }
0xac: {  	[sflag:s17] =	ssyncset.done $0x0  }
0xad: {  	[sflag:s17] =	ssyncadd.s32 $0xFFFFF800  }
0xae: {  	_ =	swait.ge [sflag:s17], $0x800  }
0xaf: {  	[sflag:s17] =	ssyncset.done $0x0  }
0xb0: {  	[sflag:s17] =	ssyncadd.s32 $0xFFFFF800  }
0xb1: {  	_ =	swait.ge [sflag:s17], $0x800  }
0xb2: {  	[sflag:s17] =	ssyncset.done $0x0  }
0xb3: {  	[sflag:s17] =	ssyncadd.s32 $0xFFFFF800  }
0xb4: {  	_ =	swait.ge [sflag:s17], $0x800  }
0xb5: {  	[sflag:s17] =	ssyncset.done $0x0  }
0xb6: {  	[sflag:s17] =	ssyncadd.s32 $0xFFFFF800  }
0xb7: {  	_ =	swait.ge [sflag:s17], $0x800  }
0xb8: {  	[sflag:s17] =	ssyncset.done $0x0  }
0xb9: {  	[sflag:s17] =	ssyncadd.s32 $0xFFFFF800  }
0xba: {  	_ =	swait.ge [sflag:s17], $0x800  }
0xbb: {  	s26 =	smov.u32 s23;
	s23 =	sadd.s32 $0x2000, s23;
	[sflag:s17] =	ssyncset.done $0x0  }
0xbc: {  	p0 =	sne.s32 s23, $0xA000;
	[sflag:s17] =	ssyncadd.s32 $0xFFFFF800  }
.Ltmp0:
0xbd: {  	_ =	swait.ge [sflag:s17], $0x800;
	(pc) =	sbr.rel @p0 .LBB2_2-.Ltmp0, $4  }
0xbe: {  	[sflag:s17] =	ssyncset.done $0x0  }
0xbf: {  	[sflag:s17] =	ssyncadd.s32 $0xFFFFF800  }
0xc0: {  	s24 =	smov.u32 s21;
	s22 =	smov.u32 s26;
	_ =	swait.ge [sflag:s17], $0x800  }
0xc1: {  	p1 =	seq.s32 s22, $0x0;
	s21 =	sadd.s32 $0x1000, s21;
	[sflag:s17] =	ssyncset.done $0x0  }
0xc2: {  	s23 =	simm.s32 @!p1 $0x3;
	[sflag:s17] =	ssyncadd.s32 $0xFFFFF800  }
0xc3: {  	[hbm4b:s24+s2] =	stream.linear.scatter [tilespmem:s10], [sflag:$0x4], $0x4000, $0x38;
	[tilespmem:$0xA800] =	vst v63  }
0xc4: {  	_ =	swait.ge @!p1 [sflag:s23], $0x4000  }
0xc5: {  	[sflag:s23] =	ssyncset.done @!p1 $0x0  }
0xc6: {  	s22 =	sshra.s32 s22, $0x2;
	[sflag:s23] =	ssyncadd.s32 @!p1 $0xFFFFC000  }
0xc7: {  	[tilespmem:s9], [sflag:$0x1] =	stream.indirect.gather [hbm4b:s3+s8], $0x10, s22, s8, $0xb8;
	[tilespmem:$0xA800] =	vst v63  }
0xc8: {  	s26 =	sadd.s32 $0x80, s22;
	s24 =	rddreg [dreg:$0x2]  }
0xc9: {  	[tilespmem:s24], [sflag:$0x1] =	stream.indirect.gather [hbm4b:s3+s8], $0x10, s26, s8, $0xb8;
	[tilespmem:$0xA800] =	vst v63  }
0xca: {  	s28 =	sadd.s32 $0x100, s22;
	s25 =	rddreg [dreg:$0x3]  }
0xcb: {  	[tilespmem:s25], [sflag:$0x1] =	stream.indirect.gather [hbm4b:s3+s8], $0x10, s28, s8, $0xb8;
	[tilespmem:$0xA800] =	vst v63  }
0xcc: {  	s30 =	sadd.s32 $0x180, s22;
	s29 =	rddreg [dreg:$0x4]  }
0xcd: {  	[tilespmem:s29], [sflag:$0x1] =	stream.indirect.gather [hbm4b:s3+s8], $0x10, s30, s8, $0xb8;
	[tilespmem:$0xA800] =	vst v63  }
0xce: {  	s31 =	rddreg [dreg:$0x5];
	s24 =	sadd.s32 $0x200, s22  }
0xcf: {  	[tilespmem:s31], [sflag:$0x1] =	stream.indirect.gather [hbm4b:s3+s8], $0x10, s24, s8, $0xb8;
	[tilespmem:$0xA800] =	vst v63  }
0xd0: {  	s26 =	rddreg [dreg:$0x6];
	s28 =	sadd.s32 $0x280, s22  }
0xd1: {  	[tilespmem:s26], [sflag:$0x1] =	stream.indirect.gather [hbm4b:s3+s8], $0x10, s28, s8, $0xb8;
	[tilespmem:$0xA800] =	vst v63  }
0xd2: {  	s29 =	rddreg [dreg:$0x7];
	s30 =	sadd.s32 $0x300, s22  }
0xd3: {  	[tilespmem:s29], [sflag:$0x1] =	stream.indirect.gather [hbm4b:s3+s8], $0x10, s30, s8, $0xb8;
	[tilespmem:$0xA800] =	vst v63  }
0xd4: {  	s25 =	simm.s32 @!p1 $0x4;
	s31 =	rddreg [dreg:$0x8];
	s26 =	sadd.s32 $0x380, s22  }
0xd5: {  	[tilespmem:s31], [sflag:$0x1] =	stream.indirect.gather [hbm4b:s3+s8], $0x10, s26, s8, $0xb8;
	[tilespmem:$0xA800] =	vst v63  }
0xd6: {  	_ =	swait.ge @!p1 [sflag:s25], $0x4000  }
0xd7: {  	[sflag:s25] =	ssyncset.done @!p1 $0x0  }
0xd8: {  	s28 =	sadd.s32 $0x400, s22;
	[sflag:s25] =	ssyncadd.s32 @!p1 $0xFFFFC000  }
0xd9: {  	[tilespmem:s10], [sflag:$0x2] =	stream.indirect.gather [hbm4b:s3+s8], $0x10, s28, s8, $0xb8;
	[tilespmem:$0xA800] =	vst v63  }
0xda: {  	s30 =	sadd.s32 $0x480, s22;
	s29 =	rddreg [dreg:$0x9]  }
0xdb: {  	[tilespmem:s29], [sflag:$0x2] =	stream.indirect.gather [hbm4b:s3+s8], $0x10, s30, s8, $0xb8;
	[tilespmem:$0xA800] =	vst v63  }
0xdc: {  	s24 =	sadd.s32 $0x500, s22;
	s31 =	rddreg [dreg:$0xa]  }
0xdd: {  	[tilespmem:s31], [sflag:$0x2] =	stream.indirect.gather [hbm4b:s3+s8], $0x10, s24, s8, $0xb8;
	[tilespmem:$0xA800] =	vst v63  }
0xde: {  	s26 =	sadd.s32 $0x580, s22  }
0xdf: {  	[tilespmem:s11], [sflag:$0x2] =	stream.indirect.gather [hbm4b:s3+s8], $0x10, s26, s8, $0xb8;
	[tilespmem:$0xA800] =	vst v63  }
0xe0: {  	s28 =	sadd.s32 $0x600, s22  }
0xe1: {  	[tilespmem:s12], [sflag:$0x2] =	stream.indirect.gather [hbm4b:s3+s8], $0x10, s28, s8, $0xb8;
	[tilespmem:$0xA800] =	vst v63  }
0xe2: {  	s29 =	sadd.s32 $0x680, s22  }
0xe3: {  	[tilespmem:s13], [sflag:$0x2] =	stream.indirect.gather [hbm4b:s3+s8], $0x10, s29, s8, $0xb8;
	[tilespmem:$0xA800] =	vst v63  }
0xe4: {  	s30 =	sadd.s32 $0x700, s22  }
0xe5: {  	[tilespmem:s14], [sflag:$0x2] =	stream.indirect.gather [hbm4b:s3+s8], $0x10, s30, s8, $0xb8;
	[tilespmem:$0xA800] =	vst v63  }
0xe6: {  	s22 =	sadd.s32 $0x780, s22  }
0xe7: {  	[tilespmem:s15], [sflag:$0x2] =	stream.indirect.gather [hbm4b:s3+s8], $0x10, s22, s8, $0xb8;
	[tilespmem:$0xA800] =	vst v63  }
0xe8: {  	_ =	swait.ge [sflag:s16], $0x800  }
0xe9: {  	[sflag:s16] =	ssyncset.done $0x0  }
0xea: {  	[sflag:s16] =	ssyncadd.s32 $0xFFFFF800  }
0xeb: {  	_ =	swait.ge [sflag:s16], $0x800  }
0xec: {  	[sflag:s16] =	ssyncset.done $0x0  }
0xed: {  	[sflag:s16] =	ssyncadd.s32 $0xFFFFF800  }
0xee: {  	_ =	swait.ge [sflag:s16], $0x800  }
0xef: {  	[sflag:s16] =	ssyncset.done $0x0  }
0xf0: {  	[sflag:s16] =	ssyncadd.s32 $0xFFFFF800  }
0xf1: {  	_ =	swait.ge [sflag:s16], $0x800  }
0xf2: {  	[sflag:s16] =	ssyncset.done $0x0  }
0xf3: {  	[sflag:s16] =	ssyncadd.s32 $0xFFFFF800  }
0xf4: {  	_ =	swait.ge [sflag:s16], $0x800  }
0xf5: {  	[sflag:s16] =	ssyncset.done $0x0  }
0xf6: {  	[sflag:s16] =	ssyncadd.s32 $0xFFFFF800  }
0xf7: {  	_ =	swait.ge [sflag:s16], $0x800  }
0xf8: {  	[sflag:s16] =	ssyncset.done $0x0  }
0xf9: {  	[sflag:s16] =	ssyncadd.s32 $0xFFFFF800  }
0xfa: {  	_ =	swait.ge [sflag:s16], $0x800  }
0xfb: {  	[sflag:s16] =	ssyncset.done $0x0  }
0xfc: {  	[sflag:s16] =	ssyncadd.s32 $0xFFFFF800  }
0xfd: {  	_ =	swait.ge [sflag:s16], $0x800  }
0xfe: {  	[sflag:s16] =	ssyncset.done $0x0  }
0xff: {  	s31 =	sadd.s32 $0xFFFFF800, s21;
	[sflag:s16] =	ssyncadd.s32 $0xFFFFF800  }
0x100: {  	[hbm4b:s31+s2] =	stream.linear.scatter [tilespmem:s9], [sflag:$0x3], $0x4000, $0x38;
	[tilespmem:$0xA800] =	vst v63  }
0x101: {  	_ =	swait.ge [sflag:s17], $0x800  }
0x102: {  	[sflag:s17] =	ssyncset.done $0x0  }
0x103: {  	[sflag:s17] =	ssyncadd.s32 $0xFFFFF800  }
0x104: {  	_ =	swait.ge [sflag:s17], $0x800  }
0x105: {  	[sflag:s17] =	ssyncset.done $0x0  }
0x106: {  	[sflag:s17] =	ssyncadd.s32 $0xFFFFF800  }
0x107: {  	_ =	swait.ge [sflag:s17], $0x800  }
0x108: {  	[sflag:s17] =	ssyncset.done $0x0  }
0x109: {  	[sflag:s17] =	ssyncadd.s32 $0xFFFFF800  }
0x10a: {  	_ =	swait.ge [sflag:s17], $0x800  }
0x10b: {  	[sflag:s17] =	ssyncset.done $0x0  }
0x10c: {  	[sflag:s17] =	ssyncadd.s32 $0xFFFFF800  }
0x10d: {  	_ =	swait.ge [sflag:s17], $0x800  }
0x10e: {  	[sflag:s17] =	ssyncset.done $0x0  }
0x10f: {  	[sflag:s17] =	ssyncadd.s32 $0xFFFFF800  }
0x110: {  	_ =	swait.ge [sflag:s17], $0x800  }
0x111: {  	[sflag:s17] =	ssyncset.done $0x0  }
0x112: {  	[sflag:s17] =	ssyncadd.s32 $0xFFFFF800  }
0x113: {  	_ =	swait.ge [sflag:s17], $0x800  }
0x114: {  	[sflag:s17] =	ssyncset.done $0x0  }
0x115: {  	[sflag:s17] =	ssyncadd.s32 $0xFFFFF800  }
0x116: {  	_ =	swait.ge [sflag:s17], $0x800  }
0x117: {  	[sflag:s17] =	ssyncset.done $0x0  }
0x118: {  	s20 =	sadd.s32 $0x1, s20;
	[sflag:s17] =	ssyncadd.s32 $0xFFFFF800  }
0x119: {  	[hbm4b:s21+s2] =	stream.linear.scatter [tilespmem:s10], [sflag:$0x4], $0x4000, $0x38;
	[tilespmem:$0xA800] =	vst v63  }
0x11a: {  	p0 =	sne.s32 s20, s5;
	_ =	swait.ge [sflag:s18], $0x4000  }
.Ltmp1:
0x11b: {  	[sflag:s18] =	ssyncset.done $0x0;
	(pc) =	sbr.rel @p0 .LBB2_1-.Ltmp1, $4  }
0x11c: {  	[sflag:s18] =	ssyncadd.s32 $0xFFFFC000  }
0x11d: {  	_ =	swait.ge [sflag:s19], $0x4000  }
0x11e: {  	[sflag:s19] =	ssyncset.done $0x0  }
0x11f: {  	[sflag:s19] =	ssyncadd.s32 $0xFFFFC000  }
0x120: {  	_ =	sfence.sel $0x180000  }
0x121: {  	[bflag:$0x0] =	sbarrier.arrive $0xFFFF  }
0x122: {  	p0 =	sne.s32 s1, $0x0;
	_ =	strace $0x90000047  }
0x123: {  	s0 =	sadd.s32 @!p0 $0x100000, s0;
	[bflag:$0x2] =	sbarrier.arrive $0xFFFF  }
0x124: {  	[sflag:s0] =	ssyncadd.tile.s32 @!p0 $0x1;
	_ =	shalt  }
.Lfunc_end2:
_tile_overlayer_lowered:
.L_overlay_start_2:
0x125: {  	(tag) =	ssettag $0x2  }
0x126: {  	s0 =	rddreg [dreg:$0x0];
	s2 =	stileid.u32  }
0x127: {  	s1 =	rddreg [dreg:$0x1];
	p0 =	sne.s32 s2, $0x0  }
0x128: {  	s3 =	rddreg [dreg:$0x2];
	[bflag:$0x3] =	sbarrier.arrive $0xFFFF;
	s2 =	simm.s32 @!p0 $0x1C05  }
0x129: {  	[timem:s3], [sflag:s2] =	dma.local @!p0 [hbm:s0], s1  }
0x12a: {  	s0 =	simm.s32 @!p0 $0x5  }
0x12b: {  	_ =	swait.ge @!p0 [sflag:s0], s1  }
0x12c: {  	s1 =	ssub.s32 @!p0 $0x0, s1;
	[sflag:s0] =	ssyncset.done @!p0 $0x0  }
0x12d: {  	[sflag:s0] =	ssyncadd.s32 @!p0 s1  }
0x12e: {  	[bflag:$0x3] =	sbarrier.arrive $0xFFFF  }
0x12f: {  	_ =	shalt  }

</sc_bundles>
